<compile_context>
chip_gen: v7x
topology: tpu7x:2x2x1
jax: 0.10.2.dev20260603
libtpu: 0.0.44.dev20260713+nightly
codegen_flags: <defaults>
</compile_context>

<pallas_src>
import jax
import jax.numpy as jnp
from jax import lax
from jax.experimental import pallas as pl
from jax.experimental.pallas import tpu as pltpu
from jax.experimental.pallas import tpu_sc as plsc

_N, _D, _E, _G, _DF = 2048, 768, 8, 2, 1536
_EG = _E // _G
_A = 2 * _N
_T3 = 256
_NT = _A // _T3
_NP = _NT + _E - 1
_NF = _E * _NT
_NW = 32
_BW = _A // _NW
_TW = _N // _NW


def _head_fold_body(w2e_ref, b2e_ref, wr_ref, v_ref, c_ref):
    wr = wr_ref[...]
    v_ref[...] = jnp.dot(w2e_ref[0], wr,
                         preferred_element_type=jnp.float32)[None]
    c_ref[...] = jnp.dot(b2e_ref[0], wr,
                         preferred_element_type=jnp.float32)[None]


def _run_head_fold(W2, b2, W_risk):
    return pl.pallas_call(
        _head_fold_body,
        grid=(_E,),
        in_specs=[
            pl.BlockSpec((1, _DF, _D), lambda e: (e, 0, 0)),
            pl.BlockSpec((1, 1, _D), lambda e: (e, 0, 0)),
            pl.BlockSpec((_D, 1), lambda e: (0, 0)),
        ],
        out_specs=[
            pl.BlockSpec((1, _DF, 1), lambda e: (e, 0, 0)),
            pl.BlockSpec((1, 1, 1), lambda e: (e, 0, 0)),
        ],
        out_shape=[
            jax.ShapeDtypeStruct((_E, _DF, 1), jnp.float32),
            jax.ShapeDtypeStruct((_E, 1, 1), jnp.float32),
        ],
    )(W2, b2[:, None, :], W_risk)


def _router_body(x_ref, wg_ref, we_ref,
                 pos_ref, g_ref, pt_ref, pe_ref, plo_ref, phi_ref):
    xt = x_ref[...]
    gl = jnp.dot(xt, wg_ref[...])
    el = jnp.dot(xt, we_ref[...])
    mg = jnp.max(gl, axis=1, keepdims=True)
    eg = jnp.exp(gl - mg)
    pg = eg / jnp.sum(eg, axis=1, keepdims=True)
    grp = []
    for gi in range(_G):
        sl = el[:, gi * _EG:(gi + 1) * _EG]
        mx = jnp.max(sl, axis=1, keepdims=True)
        ex = jnp.exp(sl - mx)
        grp.append(pg[:, gi:gi + 1] * (ex / jnp.sum(ex, axis=1,
                                                    keepdims=True)))
    probs = jnp.concatenate(grp, axis=1)

    iota = lax.broadcasted_iota(jnp.int32, (_N, _E), 1)
    v1 = jnp.max(probs, axis=1, keepdims=True)
    i1 = jnp.argmax(probs, axis=1)[:, None]
    sel1 = iota == i1
    masked = jnp.where(sel1, -jnp.inf, probs)
    v2 = jnp.max(masked, axis=1, keepdims=True)
    i2 = jnp.argmax(masked, axis=1)[:, None]
    sel2 = iota == i2
    m1f = sel1.astype(jnp.float32)
    m2f = sel2.astype(jnp.float32)
    den = v1 + v2 + 1e-9
    g_ref[:, 0:1] = v1 / den
    g_ref[:, 1:2] = v2 / den

    HP = lax.Precision.HIGHEST
    r128 = lax.broadcasted_iota(jnp.int32, (128, 128), 0)
    c128 = lax.broadcasted_iota(jnp.int32, (128, 128), 1)
    L128 = (c128 < r128).astype(jnp.float32)
    U128 = (r128 < c128).astype(jnp.float32)
    within = []
    bsums = []
    for mf in (m1f, m2f):
        for b in range(_N // 128):
            blk = mf[b * 128:(b + 1) * 128]
            within.append(lax.dot(L128, blk))
            bsums.append(jnp.sum(blk, axis=0, keepdims=True))
    BS = jnp.concatenate(bsums, axis=0)
    r32 = lax.broadcasted_iota(jnp.int32, (32, 32), 0)
    c32 = lax.broadcasted_iota(jnp.int32, (32, 32), 1)
    L32 = (c32 < r32).astype(jnp.float32)
    carry = lax.dot(L32, BS)
    tot = jnp.sum(BS, axis=0, keepdims=True)
    r8 = lax.broadcasted_iota(jnp.int32, (_E, _E), 0)
    c8 = lax.broadcasted_iota(jnp.int32, (_E, _E), 1)
    U8 = (r8 < c8).astype(jnp.float32)
    off = lax.dot(tot, U8, precision=HP)

    nb = _N // 128
    for s_i, mf in enumerate((m1f, m2f)):
        win = jnp.concatenate(within[s_i * nb:(s_i + 1) * nb], axis=0)
        car = carry[s_i * nb:(s_i + 1) * nb]
        car_tok = jnp.broadcast_to(car[:, None, :], (nb, 128, _E))
        car_tok = car_tok.reshape(_N, _E)
        field = off + car_tok + win
        pos_ref[:, s_i:s_i + 1] = jnp.sum(
            mf * field, axis=1, keepdims=True).astype(jnp.int32)

    ends = off + tot
    fcol = lax.broadcasted_iota(jnp.int32, (_NF, 1), 0)
    ecol = fcol // _NT
    tcol = (fcol % _NT).astype(jnp.float32)
    ecol8 = lax.broadcasted_iota(jnp.int32, (_NF, _E), 1)
    Scol = (jnp.broadcast_to(ecol, (_NF, _E)) == ecol8).astype(jnp.float32)
    off_col = lax.dot(Scol, jnp.transpose(off), precision=HP)
    end_col = lax.dot(Scol, jnp.transpose(ends), precision=HP)
    act_col = ((off_col < (tcol + 1.0) * _T3) &
               (end_col > tcol * _T3)).astype(jnp.float32)
    rank_col = lax.dot(L128, act_col)
    prow = lax.broadcasted_iota(jnp.int32, (_NF, _NP), 1).astype(jnp.float32)
    PmatT = (jnp.broadcast_to(rank_col, (_NF, _NP)) == prow)
    PmatT = PmatT.astype(jnp.float32) * jnp.broadcast_to(act_col, (_NF, _NP))
    frow = lax.broadcasted_iota(jnp.int32, (1, _NF), 1)
    trow = (frow % _NT).astype(jnp.float32)
    erow = (frow // _NT).astype(jnp.float32)
    lo_row = jnp.transpose(off_col)
    hi_row = jnp.transpose(end_col)
    pt_ref[...] = lax.dot(trow, PmatT, precision=HP).astype(jnp.int32)
    pe_ref[...] = lax.dot(erow, PmatT, precision=HP).astype(jnp.int32)
    plo_ref[...] = lax.dot(lo_row, PmatT, precision=HP).astype(jnp.int32)
    phi_ref[...] = lax.dot(hi_row, PmatT, precision=HP).astype(jnp.int32)


def _run_router(x, Wg_group, Wg_expert):
    return pl.pallas_call(
        _router_body,
        grid=(1,),
        in_specs=[
            pl.BlockSpec((_N, _D), lambda i: (0, 0)),
            pl.BlockSpec((_D, _G), lambda i: (0, 0)),
            pl.BlockSpec((_D, _E), lambda i: (0, 0)),
        ],
        out_specs=[
            pl.BlockSpec((_N, 2), lambda i: (0, 0)),
            pl.BlockSpec((_N, 2), lambda i: (0, 0)),
            pl.BlockSpec((1, _NP), lambda i: (0, 0)),
            pl.BlockSpec((1, _NP), lambda i: (0, 0)),
            pl.BlockSpec((1, _NP), lambda i: (0, 0)),
            pl.BlockSpec((1, _NP), lambda i: (0, 0)),
        ],
        out_shape=[
            jax.ShapeDtypeStruct((_N, 2), jnp.int32),
            jax.ShapeDtypeStruct((_N, 2), jnp.float32),
            jax.ShapeDtypeStruct((1, _NP), jnp.int32),
            jax.ShapeDtypeStruct((1, _NP), jnp.int32),
            jax.ShapeDtypeStruct((1, _NP), jnp.int32),
            jax.ShapeDtypeStruct((1, _NP), jnp.int32),
        ],
    )(x, Wg_group, Wg_expert)


_BH = _BW // 2


def _dispatch_body(x_hbm, pos_hbm, xs_hbm,
                   pv2_v, posa_v, posb_v, rowsa_v, rowsb_v, semr, semw):
    wid = lax.axis_index("s") * 2 + lax.axis_index("c")
    slot = wid // (_NW // 2)
    btok = (wid % (_NW // 2)) * _BW
    pltpu.sync_copy(pos_hbm.at[pl.ds(btok, _BW)], pv2_v)
    ra = pltpu.async_copy(x_hbm.at[pl.ds(btok, _BH)], rowsa_v, semr)
    rb = pltpu.async_copy(x_hbm.at[pl.ds(btok + _BH, _BH)], rowsb_v, semr)
    scol = lax.iota(jnp.int32, 16) * 0 + slot
    for j in range(_BW // 16):
        ridx = lax.iota(jnp.int32, 16) + j * 16
        vals = plsc.load_gather(pv2_v, [ridx, scol])
        if j < _BH // 16:
            posa_v[pl.ds(j * 16, 16)] = vals
        else:
            posb_v[pl.ds((j - _BH // 16) * 16, 16)] = vals
    ra.wait()
    wa = pltpu.async_copy(rowsa_v, xs_hbm.at[posa_v], semw)
    rb.wait()
    wb = pltpu.async_copy(rowsb_v, xs_hbm.at[posb_v], semw)
    wa.wait()
    wb.wait()


def _run_dispatch(x, pos2):
    mesh = plsc.VectorSubcoreMesh(core_axis_name="c", subcore_axis_name="s")
    return pl.kernel(
        _dispatch_body,
        out_type=jax.ShapeDtypeStruct((_A, _D), jnp.float32),
        mesh=mesh,
        compiler_params=pltpu.CompilerParams(needs_layout_passes=False),
        scratch_types=[
            pltpu.VMEM((_BW, 2), jnp.int32),
            pltpu.VMEM((_BH,), jnp.int32),
            pltpu.VMEM((_BH,), jnp.int32),
            pltpu.VMEM((_BH, _D), jnp.float32),
            pltpu.VMEM((_BH, _D), jnp.float32),
            pltpu.SemaphoreType.DMA,
            pltpu.SemaphoreType.DMA,
        ],
    )(x, pos2)


def _ffn_body(tile_ref, exp_ref, lo_ref, hi_ref,
              xs_ref, w1_ref, b1_ref, v_ref, c_ref, out_ref):
    p = pl.program_id(0)
    t = tile_ref[0, p]
    xs = xs_ref[...]
    h = jnp.dot(xs.astype(jnp.bfloat16), w1_ref[0].astype(jnp.bfloat16),
                preferred_element_type=jnp.float32) + b1_ref[0, 0][None]
    h = jax.nn.gelu(h)
    s = jnp.dot(h, v_ref[0])
    val = s + c_ref[0, 0, 0]
    rows = t * _T3 + lax.broadcasted_iota(jnp.int32, (_T3, 1), 0)
    m = (rows >= lo_ref[0, p]) & (rows < hi_ref[0, p])
    val = jnp.where(m, val, 0.0)

    @pl.when(p == 0)
    def _():
        out_ref[...] = jnp.zeros((_A, 1), jnp.float32)

    out_ref[pl.ds(t * _T3, _T3), :] = out_ref[pl.ds(t * _T3, _T3), :] + val


def _run_ffn(x_sorted, W1, b1, v, c, passes):
    p_tile, p_exp, p_lo, p_hi = passes
    grid_spec = pltpu.PrefetchScalarGridSpec(
        num_scalar_prefetch=4,
        grid=(_NP,),
        in_specs=[
            pl.BlockSpec((_T3, _D), lambda p, tr, er, lr, hr: (tr[0, p], 0)),
            pl.BlockSpec((1, _D, _DF),
                         lambda p, tr, er, lr, hr: (er[0, p], 0, 0)),
            pl.BlockSpec((1, 1, _DF),
                         lambda p, tr, er, lr, hr: (er[0, p], 0, 0)),
            pl.BlockSpec((1, _DF, 1),
                         lambda p, tr, er, lr, hr: (er[0, p], 0, 0)),
            pl.BlockSpec((1, 1, 1),
                         lambda p, tr, er, lr, hr: (er[0, p], 0, 0)),
        ],
        out_specs=pl.BlockSpec((_A, 1), lambda p, tr, er, lr, hr: (0, 0)),
    )
    return pl.pallas_call(
        _ffn_body,
        grid_spec=grid_spec,
        out_shape=jax.ShapeDtypeStruct((_A, 1), jnp.float32),
    )(p_tile, p_exp, p_lo, p_hi, x_sorted, W1, b1[:, None, :], v, c)


def _combine_body(sp_hbm, pos_hbm, g_hbm, br_hbm, out_hbm,
                  sp_v, pv, gv, br_v, r_v):
    wid = lax.axis_index("s") * 2 + lax.axis_index("c")
    base = wid * _TW
    pltpu.sync_copy(sp_hbm, sp_v)
    pltpu.sync_copy(pos_hbm.at[pl.ds(base, _TW)], pv)
    pltpu.sync_copy(g_hbm.at[pl.ds(base, _TW)], gv)
    pltpu.sync_copy(br_hbm, br_v)
    brv = br_v[...]
    zc = lax.iota(jnp.int32, 16) * 0
    oc = zc + 1
    for i in range(_TW // 16):
        ridx = lax.iota(jnp.int32, 16) + i * 16
        p0 = plsc.load_gather(pv, [ridx, zc])
        p1 = plsc.load_gather(pv, [ridx, oc])
        g0 = plsc.load_gather(gv, [ridx, zc])
        g1 = plsc.load_gather(gv, [ridx, oc])
        a0 = plsc.load_gather(sp_v, [p0])
        a1 = plsc.load_gather(sp_v, [p1])
        r_v[pl.ds(i * 16, 16)] = g0 * a0 + g1 * a1 + brv
    pltpu.sync_copy(r_v, out_hbm.at[pl.ds(base, _TW)])


def _run_combine(s_flat, pos2, g2, br16):
    mesh = plsc.VectorSubcoreMesh(core_axis_name="c", subcore_axis_name="s")
    return pl.kernel(
        _combine_body,
        out_type=jax.ShapeDtypeStruct((_N,), jnp.float32),
        mesh=mesh,
        compiler_params=pltpu.CompilerParams(needs_layout_passes=False),
        scratch_types=[
            pltpu.VMEM((_A,), jnp.float32),
            pltpu.VMEM((_TW, 2), jnp.int32),
            pltpu.VMEM((_TW, 2), jnp.float32),
            pltpu.VMEM((16,), jnp.float32),
            pltpu.VMEM((_TW,), jnp.float32),
        ],
    )(s_flat, pos2, g2, br16)


@jax.jit
def kernel(x, Wg_group, Wg_expert, W1, b1, W2, b2, W_risk, b_risk):
    pos2, g2, p_tile, p_exp, p_lo, p_hi = _run_router(x, Wg_group, Wg_expert)
    v, c = _run_head_fold(W2, b2, W_risk)
    x_sorted = _run_dispatch(x, pos2)
    s = _run_ffn(x_sorted, W1, b1, v, c, (p_tile, p_exp, p_lo, p_hi))
    br16 = jnp.broadcast_to(b_risk, (16,)).astype(jnp.float32)
    return _run_combine(s.reshape(_A), pos2, g2, br16)

# --- scband reference (transcript-rebuilt; emitter-appended) ---
"""Pipeline reference for scband-endpoint-task-model-17291538334404 (READ-ONLY COPY).

The authoritative reference and input builder live on the scoring server;
editing this copy changes nothing except your own understanding.
"""

import jax, jax.numpy as jnp
import numpy as np

N, D, E, G, DF, TOPK = 2048, 768, 8, 2, 1536, 2

def setup_inputs(seed: int = 0) -> dict:
    key = jax.random.key(seed)
    ks = jax.random.split(key, 10)
    s = 0.02
    return {
        "x": jax.random.normal(ks[0], (N, D), dtype=jnp.float32),
        "Wg_group": jax.random.normal(ks[1], (D, G), dtype=jnp.float32) * s,
        "Wg_expert": jax.random.normal(ks[2], (D, E), dtype=jnp.float32) * s,
        "W1": jax.random.normal(ks[3], (E, D, DF), dtype=jnp.float32) * s,
        "b1": jnp.zeros((E, DF), dtype=jnp.float32),
        "W2": jax.random.normal(ks[4], (E, DF, D), dtype=jnp.float32) * s,
        "b2": jnp.zeros((E, D), dtype=jnp.float32),
        "W_risk": jax.random.normal(ks[5], (D, 1), dtype=jnp.float32) * s,
        "b_risk": jnp.zeros((1,), dtype=jnp.float32),
    }

def reference(x, Wg_group, Wg_expert, W1, b1, W2, b2, W_risk, b_risk):
    n = x.shape[0]
    g = Wg_group.shape[1]
    e = Wg_expert.shape[1]
    eg = e // g
    # Hierarchical router: group-level softmax times within-group expert softmax
    group_logits = x @ Wg_group                     # [N, G]
    expert_logits = (x @ Wg_expert).reshape(n, g, eg)  # [N, G, Eg]
    p_group = jax.nn.softmax(group_logits, axis=-1)
    p_expert = jax.nn.softmax(expert_logits, axis=-1)
    probs = (p_group[:, :, None] * p_expert).reshape(n, e)  # [N, E]
    # Top-k expert selection + renormalized gates (scatter back to dense gate matrix)
    top_vals, top_idx = jax.lax.top_k(probs, TOPK)
    top_vals = top_vals / (jnp.sum(top_vals, axis=-1, keepdims=True) + 1e-9)
    gates = jnp.zeros((n, e), dtype=x.dtype).at[jnp.arange(n)[:, None], top_idx].set(top_vals)
    # Expert FFNs (dense reference: all experts computed, combined by sparse gates)
    h = jnp.einsum('nd,edf->nef', x, W1) + b1[None]
    h = jax.nn.gelu(h)
    y = jnp.einsum('nef,efd->ned', h, W2) + b2[None]
    patient_embedding = jnp.einsum('ne,ned->nd', gates, y)  # fusion output
    # risk head
    risk = (patient_embedding @ W_risk + b_risk).squeeze(-1)  # [N]
    return risk

if __name__ == "__main__":
    import jax
    _d = setup_inputs()
    print(jax.jit(kernel)(*tuple(_d.values())))

</pallas_src>

<mosaic_0001>
#map = affine_map<(d0, d1) -> (0)>
#map1 = affine_map<(d0, d1) -> (0, 0)>
module attributes {stable_mosaic.version = 14 : i64} {
  func.func @_combine_body(%arg0: i32, %arg1: i32, %arg2: memref<4096xf32, #tpu.memory_space<hbm>>, %arg3: memref<2048x2xi32, #tpu.memory_space<hbm>>, %arg4: memref<2048x2xf32, #tpu.memory_space<hbm>>, %arg5: memref<16xf32, #tpu.memory_space<hbm>>, %arg6: memref<2048xf32, #tpu.memory_space<hbm>>, %arg7: memref<4096xf32, #tpu.memory_space<vmem>>, %arg8: memref<64x2xi32, #tpu.memory_space<vmem>>, %arg9: memref<64x2xf32, #tpu.memory_space<vmem>>, %arg10: memref<16xf32, #tpu.memory_space<vmem>>, %arg11: memref<64xf32, #tpu.memory_space<vmem>>) attributes {dimension_semantics = [#tpu.dimension_semantics<core_parallel>, #tpu.dimension_semantics<subcore_parallel>], iteration_bounds = array<i64: 2, 16>, scalar_prefetch = 0 : i64, scratch_operands = 5 : i64, tpu.core_type = #tpu.core_type<sc_vector_subcore>, window_params = [{transform_indices = #map}, {transform_indices = #map1}, {transform_indices = #map1}, {transform_indices = #map}, {transform_indices = #map}]} {
    %mul3A = arith.constant 2 : i32
    %mul3A_0 = arith.muli %arg1, %mul3A : i32
    %add3A = arith.addi %mul3A_0, %arg0 : i32
    %mul3A_1 = arith.constant 64 : i32
    %mul3A_2 = arith.muli %add3A, %mul3A_1 : i32
    "tpu.region"() ({
      %run_scoped3A = tpu.sem_alloc : memref<!tpu.dma_semaphore, #tpu.memory_space<semaphore_mem>>
      tpu.enqueue_dma source(%arg2 : memref<4096xf32, #tpu.memory_space<hbm>>) target(%arg7 : memref<4096xf32, #tpu.memory_space<vmem>>) target_semaphore(%run_scoped3A : memref<!tpu.dma_semaphore, #tpu.memory_space<semaphore_mem>>)
      tpu.wait_dma2 semaphore(%run_scoped3A : memref<!tpu.dma_semaphore, #tpu.memory_space<semaphore_mem>>) src(%arg2 : memref<4096xf32, #tpu.memory_space<hbm>>) dst(%arg7 : memref<4096xf32, #tpu.memory_space<vmem>>)
      tpu.yield
    }) : () -> ()
    "tpu.region"() ({
      %run_scoped3A = tpu.sem_alloc : memref<!tpu.dma_semaphore, #tpu.memory_space<semaphore_mem>>
      %dma_start3A = arith.constant 0 : i32
      %dma_start3A_72 = tpu.memref_slice %arg3[%mul3A_2, %dma_start3A] : memref<2048x2xi32, #tpu.memory_space<hbm>> -> memref<64x2xi32, #tpu.memory_space<hbm>>
      %dma_start3A_73 = arith.constant 0 : i32
      %dma_start3A_74 = tpu.memref_slice %arg3[%mul3A_2, %dma_start3A_73] : memref<2048x2xi32, #tpu.memory_space<hbm>> -> memref<64x2xi32, #tpu.memory_space<hbm>>
      tpu.enqueue_dma source(%dma_start3A_74 : memref<64x2xi32, #tpu.memory_space<hbm>>) target(%arg8 : memref<64x2xi32, #tpu.memory_space<vmem>>) target_semaphore(%run_scoped3A : memref<!tpu.dma_semaphore, #tpu.memory_space<semaphore_mem>>)
      %dma_wait3A = arith.constant 0 : i32
      %dma_wait3A_75 = tpu.memref_slice %arg3[%mul3A_2, %dma_wait3A] : memref<2048x2xi32, #tpu.memory_space<hbm>> -> memref<64x2xi32, #tpu.memory_space<hbm>>
      %dma_wait3A_76 = arith.constant 0 : i32
      %dma_wait3A_77 = tpu.memref_slice %arg3[%mul3A_2, %dma_wait3A_76] : memref<2048x2xi32, #tpu.memory_space<hbm>> -> memref<64x2xi32, #tpu.memory_space<hbm>>
      tpu.wait_dma2 semaphore(%run_scoped3A : memref<!tpu.dma_semaphore, #tpu.memory_space<semaphore_mem>>) src(%dma_wait3A_77 : memref<64x2xi32, #tpu.memory_space<hbm>>) dst(%arg8 : memref<64x2xi32, #tpu.memory_space<vmem>>)
      tpu.yield
    }) : () -> ()
    "tpu.region"() ({
      %run_scoped3A = tpu.sem_alloc : memref<!tpu.dma_semaphore, #tpu.memory_space<semaphore_mem>>
      %dma_start3A = arith.constant 0 : i32
      %dma_start3A_72 = tpu.memref_slice %arg4[%mul3A_2, %dma_start3A] : memref<2048x2xf32, #tpu.memory_space<hbm>> -> memref<64x2xf32, #tpu.memory_space<hbm>>
      %dma_start3A_73 = arith.constant 0 : i32
      %dma_start3A_74 = tpu.memref_slice %arg4[%mul3A_2, %dma_start3A_73] : memref<2048x2xf32, #tpu.memory_space<hbm>> -> memref<64x2xf32, #tpu.memory_space<hbm>>
      tpu.enqueue_dma source(%dma_start3A_74 : memref<64x2xf32, #tpu.memory_space<hbm>>) target(%arg9 : memref<64x2xf32, #tpu.memory_space<vmem>>) target_semaphore(%run_scoped3A : memref<!tpu.dma_semaphore, #tpu.memory_space<semaphore_mem>>)
      %dma_wait3A = arith.constant 0 : i32
      %dma_wait3A_75 = tpu.memref_slice %arg4[%mul3A_2, %dma_wait3A] : memref<2048x2xf32, #tpu.memory_space<hbm>> -> memref<64x2xf32, #tpu.memory_space<hbm>>
      %dma_wait3A_76 = arith.constant 0 : i32
      %dma_wait3A_77 = tpu.memref_slice %arg4[%mul3A_2, %dma_wait3A_76] : memref<2048x2xf32, #tpu.memory_space<hbm>> -> memref<64x2xf32, #tpu.memory_space<hbm>>
      tpu.wait_dma2 semaphore(%run_scoped3A : memref<!tpu.dma_semaphore, #tpu.memory_space<semaphore_mem>>) src(%dma_wait3A_77 : memref<64x2xf32, #tpu.memory_space<hbm>>) dst(%arg9 : memref<64x2xf32, #tpu.memory_space<vmem>>)
      tpu.yield
    }) : () -> ()
    "tpu.region"() ({
      %run_scoped3A = tpu.sem_alloc : memref<!tpu.dma_semaphore, #tpu.memory_space<semaphore_mem>>
      tpu.enqueue_dma source(%arg5 : memref<16xf32, #tpu.memory_space<hbm>>) target(%arg10 : memref<16xf32, #tpu.memory_space<vmem>>) target_semaphore(%run_scoped3A : memref<!tpu.dma_semaphore, #tpu.memory_space<semaphore_mem>>)
      tpu.wait_dma2 semaphore(%run_scoped3A : memref<!tpu.dma_semaphore, #tpu.memory_space<semaphore_mem>>) src(%arg5 : memref<16xf32, #tpu.memory_space<hbm>>) dst(%arg10 : memref<16xf32, #tpu.memory_space<vmem>>)
      tpu.yield
    }) : () -> ()
    %get3A = arith.constant 0 : index
    %get3A_3 = tpu.vector_load %arg10[%get3A] {strides = array<i32>} : memref<16xf32, #tpu.memory_space<vmem>>, vector<16xf32>,
    %iota3A = tpu.iota {dimensions = array<i32: 0>} : vector<16xi32>
    %mul3A_4 = arith.constant 0 : i32
    %mul3A_5 = vector.broadcast %mul3A_4 : i32 to vector<16xi32>
    %mul3A_6 = arith.muli %iota3A, %mul3A_5 : vector<16xi32>
    %add3A_7 = arith.constant 1 : i32
    %add3A_8 = vector.broadcast %add3A_7 : i32 to vector<16xi32>
    %add3A_9 = arith.addi %mul3A_6, %add3A_8 : vector<16xi32>
    %iota3A_10 = tpu.iota {dimensions = array<i32: 0>} : vector<16xi32>
    %add3A_11 = arith.constant 0 : i32
    %add3A_12 = vector.broadcast %add3A_11 : i32 to vector<16xi32>
    %add3A_13 = arith.addi %iota3A_10, %add3A_12 : vector<16xi32>
    %gather3A = tpu.vector_load_idx %arg8[%add3A_13, %mul3A_6] : memref<64x2xi32, #tpu.memory_space<vmem>>[vector<16xi32>, vector<16xi32>], vector<16xi32>,
    %gather3A_14 = tpu.vector_load_idx %arg8[%add3A_13, %add3A_9] : memref<64x2xi32, #tpu.memory_space<vmem>>[vector<16xi32>, vector<16xi32>], vector<16xi32>,
    %gather3A_15 = tpu.vector_load_idx %arg9[%add3A_13, %mul3A_6] : memref<64x2xf32, #tpu.memory_space<vmem>>[vector<16xi32>, vector<16xi32>], vector<16xf32>,
    %gather3A_16 = tpu.vector_load_idx %arg9[%add3A_13, %add3A_9] : memref<64x2xf32, #tpu.memory_space<vmem>>[vector<16xi32>, vector<16xi32>], vector<16xf32>,
    %gather3A_17 = tpu.vector_load_idx %arg7[%gather3A] : memref<4096xf32, #tpu.memory_space<vmem>>[vector<16xi32>], vector<16xf32>,
    %gather3A_18 = tpu.vector_load_idx %arg7[%gather3A_14] : memref<4096xf32, #tpu.memory_space<vmem>>[vector<16xi32>], vector<16xf32>,
    %mul3A_19 = arith.mulf %gather3A_15, %gather3A_17 : vector<16xf32>
    %mul3A_20 = arith.mulf %gather3A_16, %gather3A_18 : vector<16xf32>
    %add3A_21 = arith.addf %mul3A_19, %mul3A_20 : vector<16xf32>
    %add3A_22 = arith.addf %add3A_21, %get3A_3 : vector<16xf32>
    %swap3A = arith.constant 0 : index
    %swap3A_23 = tpu.vector_load %arg11[%swap3A] {strides = array<i32>} : memref<64xf32, #tpu.memory_space<vmem>>, vector<16xf32>,
    tpu.vector_store %arg11[%swap3A], %add3A_22 {strides = array<i32>} : memref<64xf32, #tpu.memory_space<vmem>>, vector<16xf32>,
    %iota3A_24 = tpu.iota {dimensions = array<i32: 0>} : vector<16xi32>
    %add3A_25 = arith.constant 16 : i32
    %add3A_26 = vector.broadcast %add3A_25 : i32 to vector<16xi32>
    %add3A_27 = arith.addi %iota3A_24, %add3A_26 : vector<16xi32>
    %gather3A_28 = tpu.vector_load_idx %arg8[%add3A_27, %mul3A_6] : memref<64x2xi32, #tpu.memory_space<vmem>>[vector<16xi32>, vector<16xi32>], vector<16xi32>,
    %gather3A_29 = tpu.vector_load_idx %arg8[%add3A_27, %add3A_9] : memref<64x2xi32, #tpu.memory_space<vmem>>[vector<16xi32>, vector<16xi32>], vector<16xi32>,
    %gather3A_30 = tpu.vector_load_idx %arg9[%add3A_27, %mul3A_6] : memref<64x2xf32, #tpu.memory_space<vmem>>[vector<16xi32>, vector<16xi32>], vector<16xf32>,
    %gather3A_31 = tpu.vector_load_idx %arg9[%add3A_27, %add3A_9] : memref<64x2xf32, #tpu.memory_space<vmem>>[vector<16xi32>, vector<16xi32>], vector<16xf32>,
    %gather3A_32 = tpu.vector_load_idx %arg7[%gather3A_28] : memref<4096xf32, #tpu.memory_space<vmem>>[vector<16xi32>], vector<16xf32>,
    %gather3A_33 = tpu.vector_load_idx %arg7[%gather3A_29] : memref<4096xf32, #tpu.memory_space<vmem>>[vector<16xi32>], vector<16xf32>,
    %mul3A_34 = arith.mulf %gather3A_30, %gather3A_32 : vector<16xf32>
    %mul3A_35 = arith.mulf %gather3A_31, %gather3A_33 : vector<16xf32>
    %add3A_36 = arith.addf %mul3A_34, %mul3A_35 : vector<16xf32>
    %add3A_37 = arith.addf %add3A_36, %get3A_3 : vector<16xf32>
    %swap3A_38 = arith.constant 16 : index
    %swap3A_39 = tpu.vector_load %arg11[%swap3A_38] {strides = array<i32>} : memref<64xf32, #tpu.memory_space<vmem>>, vector<16xf32>,
    tpu.vector_store %arg11[%swap3A_38], %add3A_37 {strides = array<i32>} : memref<64xf32, #tpu.memory_space<vmem>>, vector<16xf32>,
    %iota3A_40 = tpu.iota {dimensions = array<i32: 0>} : vector<16xi32>
    %add3A_41 = arith.constant 32 : i32
    %add3A_42 = vector.broadcast %add3A_41 : i32 to vector<16xi32>
    %add3A_43 = arith.addi %iota3A_40, %add3A_42 : vector<16xi32>
    %gather3A_44 = tpu.vector_load_idx %arg8[%add3A_43, %mul3A_6] : memref<64x2xi32, #tpu.memory_space<vmem>>[vector<16xi32>, vector<16xi32>], vector<16xi32>,
    %gather3A_45 = tpu.vector_load_idx %arg8[%add3A_43, %add3A_9] : memref<64x2xi32, #tpu.memory_space<vmem>>[vector<16xi32>, vector<16xi32>], vector<16xi32>,
    %gather3A_46 = tpu.vector_load_idx %arg9[%add3A_43, %mul3A_6] : memref<64x2xf32, #tpu.memory_space<vmem>>[vector<16xi32>, vector<16xi32>], vector<16xf32>,
    %gather3A_47 = tpu.vector_load_idx %arg9[%add3A_43, %add3A_9] : memref<64x2xf32, #tpu.memory_space<vmem>>[vector<16xi32>, vector<16xi32>], vector<16xf32>,
    %gather3A_48 = tpu.vector_load_idx %arg7[%gather3A_44] : memref<4096xf32, #tpu.memory_space<vmem>>[vector<16xi32>], vector<16xf32>,
    %gather3A_49 = tpu.vector_load_idx %arg7[%gather3A_45] : memref<4096xf32, #tpu.memory_space<vmem>>[vector<16xi32>], vector<16xf32>,
    %mul3A_50 = arith.mulf %gather3A_46, %gather3A_48 : vector<16xf32>
    %mul3A_51 = arith.mulf %gather3A_47, %gather3A_49 : vector<16xf32>
    %add3A_52 = arith.addf %mul3A_50, %mul3A_51 : vector<16xf32>
    %add3A_53 = arith.addf %add3A_52, %get3A_3 : vector<16xf32>
    %swap3A_54 = arith.constant 32 : index
    %swap3A_55 = tpu.vector_load %arg11[%swap3A_54] {strides = array<i32>} : memref<64xf32, #tpu.memory_space<vmem>>, vector<16xf32>,
    tpu.vector_store %arg11[%swap3A_54], %add3A_53 {strides = array<i32>} : memref<64xf32, #tpu.memory_space<vmem>>, vector<16xf32>,
    %iota3A_56 = tpu.iota {dimensions = array<i32: 0>} : vector<16xi32>
    %add3A_57 = arith.constant 48 : i32
    %add3A_58 = vector.broadcast %add3A_57 : i32 to vector<16xi32>
    %add3A_59 = arith.addi %iota3A_56, %add3A_58 : vector<16xi32>
    %gather3A_60 = tpu.vector_load_idx %arg8[%add3A_59, %mul3A_6] : memref<64x2xi32, #tpu.memory_space<vmem>>[vector<16xi32>, vector<16xi32>], vector<16xi32>,
    %gather3A_61 = tpu.vector_load_idx %arg8[%add3A_59, %add3A_9] : memref<64x2xi32, #tpu.memory_space<vmem>>[vector<16xi32>, vector<16xi32>], vector<16xi32>,
    %gather3A_62 = tpu.vector_load_idx %arg9[%add3A_59, %mul3A_6] : memref<64x2xf32, #tpu.memory_space<vmem>>[vector<16xi32>, vector<16xi32>], vector<16xf32>,
    %gather3A_63 = tpu.vector_load_idx %arg9[%add3A_59, %add3A_9] : memref<64x2xf32, #tpu.memory_space<vmem>>[vector<16xi32>, vector<16xi32>], vector<16xf32>,
    %gather3A_64 = tpu.vector_load_idx %arg7[%gather3A_60] : memref<4096xf32, #tpu.memory_space<vmem>>[vector<16xi32>], vector<16xf32>,
    %gather3A_65 = tpu.vector_load_idx %arg7[%gather3A_61] : memref<4096xf32, #tpu.memory_space<vmem>>[vector<16xi32>], vector<16xf32>,
    %mul3A_66 = arith.mulf %gather3A_62, %gather3A_64 : vector<16xf32>
    %mul3A_67 = arith.mulf %gather3A_63, %gather3A_65 : vector<16xf32>
    %add3A_68 = arith.addf %mul3A_66, %mul3A_67 : vector<16xf32>
    %add3A_69 = arith.addf %add3A_68, %get3A_3 : vector<16xf32>
    %swap3A_70 = arith.constant 48 : index
    %swap3A_71 = tpu.vector_load %arg11[%swap3A_70] {strides = array<i32>} : memref<64xf32, #tpu.memory_space<vmem>>, vector<16xf32>,
    tpu.vector_store %arg11[%swap3A_70], %add3A_69 {strides = array<i32>} : memref<64xf32, #tpu.memory_space<vmem>>, vector<16xf32>,
    "tpu.region"() ({
      %run_scoped3A = tpu.sem_alloc : memref<!tpu.dma_semaphore, #tpu.memory_space<semaphore_mem>>
      %dma_start3A = tpu.memref_slice %arg6[%mul3A_2] : memref<2048xf32, #tpu.memory_space<hbm>> -> memref<64xf32, #tpu.memory_space<hbm>>
      %dma_start3A_72 = tpu.memref_slice %arg6[%mul3A_2] : memref<2048xf32, #tpu.memory_space<hbm>> -> memref<64xf32, #tpu.memory_space<hbm>>
      tpu.enqueue_dma source(%arg11 : memref<64xf32, #tpu.memory_space<vmem>>) target(%dma_start3A_72 : memref<64xf32, #tpu.memory_space<hbm>>) target_semaphore(%run_scoped3A : memref<!tpu.dma_semaphore, #tpu.memory_space<semaphore_mem>>)
      %dma_wait3A = tpu.memref_slice %arg6[%mul3A_2] : memref<2048xf32, #tpu.memory_space<hbm>> -> memref<64xf32, #tpu.memory_space<hbm>>
      %dma_wait3A_73 = tpu.memref_slice %arg6[%mul3A_2] : memref<2048xf32, #tpu.memory_space<hbm>> -> memref<64xf32, #tpu.memory_space<hbm>>
      tpu.wait_dma2 semaphore(%run_scoped3A : memref<!tpu.dma_semaphore, #tpu.memory_space<semaphore_mem>>) src(%arg11 : memref<64xf32, #tpu.memory_space<vmem>>) dst(%dma_wait3A_73 : memref<64xf32, #tpu.memory_space<hbm>>)
      tpu.yield
    }) : () -> ()
    return
  }
}

#map = affine_map<(d0, d1) -> (0, 0)>
module attributes {stable_mosaic.version = 14 : i64} {
  func.func @_dispatch_body(%arg0: i32, %arg1: i32, %arg2: memref<2048x768xf32, #tpu.memory_space<hbm>>, %arg3: memref<2048x2xi32, #tpu.memory_space<hbm>>, %arg4: memref<4096x768xf32, #tpu.memory_space<hbm>>, %arg5: memref<128x2xi32, #tpu.memory_space<vmem>>, %arg6: memref<64xi32, #tpu.memory_space<vmem>>, %arg7: memref<64xi32, #tpu.memory_space<vmem>>, %arg8: memref<64x768xf32, #tpu.memory_space<vmem>>, %arg9: memref<64x768xf32, #tpu.memory_space<vmem>>, %arg10: memref<!tpu.dma_semaphore, #tpu.memory_space<semaphore_mem>>, %arg11: memref<!tpu.dma_semaphore, #tpu.memory_space<semaphore_mem>>) attributes {dimension_semantics = [#tpu.dimension_semantics<core_parallel>, #tpu.dimension_semantics<subcore_parallel>], iteration_bounds = array<i64: 2, 16>, scalar_prefetch = 0 : i64, scratch_operands = 7 : i64, tpu.core_type = #tpu.core_type<sc_vector_subcore>, window_params = [{transform_indices = #map}, {transform_indices = #map}, {transform_indices = #map}]} {
    %mul3A = arith.constant 2 : i32
    %mul3A_0 = arith.muli %arg1, %mul3A : i32
    %add3A = arith.addi %mul3A_0, %arg0 : i32
    %jit3A = arith.constant 16 : i32
    %div3A = arith.divsi %add3A, %jit3A : i32
    %sign3A = arith.constant 0 : i32
    %sign3A_1 = arith.cmpi sgt, %add3A, %sign3A : i32
    %sign3A_2 = arith.extui %sign3A_1 : i1 to i32
    %sign3A_3 = arith.constant 0 : i32
    %sign3A_4 = arith.cmpi slt, %add3A, %sign3A_3 : i32
    %sign3A_5 = arith.extui %sign3A_4 : i1 to i32
    %sign3A_6 = arith.subi %sign3A_2, %sign3A_5 : i32
    %sign3A_7 = arith.constant 0 : i32
    %sign3A_8 = arith.cmpi sgt, %jit3A, %sign3A_7 : i32
    %sign3A_9 = arith.extui %sign3A_8 : i1 to i32
    %sign3A_10 = arith.constant 0 : i32
    %sign3A_11 = arith.cmpi slt, %jit3A, %sign3A_10 : i32
    %sign3A_12 = arith.extui %sign3A_11 : i1 to i32
    %sign3A_13 = arith.subi %sign3A_9, %sign3A_12 : i32
    %ne3A = arith.cmpi ne, %sign3A_6, %sign3A_13 : i32
    %rem3A = arith.remsi %add3A, %jit3A : i32
    %ne3A_14 = arith.constant 0 : i32
    %ne3A_15 = arith.cmpi ne, %rem3A, %ne3A_14 : i32
    %and3A = arith.andi %ne3A, %ne3A_15 : i1
    %sub3A = arith.constant 1 : i32
    %sub3A_16 = arith.subi %div3A, %sub3A : i32
    %select_n3A = arith.select %and3A, %sub3A_16, %div3A : i32
    %jit3A_17 = arith.constant 16 : i32
    %eq3A = arith.constant 0 : i32
    %eq3A_18 = arith.cmpi eq, %jit3A_17, %eq3A : i32
    %jit3A_19 = arith.constant 1 : i32
    %select_n3A_20 = arith.select %eq3A_18, %jit3A_19, %jit3A_17 : i32
    %rem3A_21 = arith.remsi %add3A, %select_n3A_20 : i32
    %ne3A_22 = arith.constant 0 : i32
    %ne3A_23 = arith.cmpi ne, %rem3A_21, %ne3A_22 : i32
    %lt3A = arith.constant 0 : i32
    %lt3A_24 = arith.cmpi slt, %rem3A_21, %lt3A : i32
    %lt3A_25 = arith.constant 0 : i32
    %lt3A_26 = arith.cmpi slt, %select_n3A_20, %lt3A_25 : i32
    %ne3A_27 = arith.xori %lt3A_24, %lt3A_26 : i1
    %and3A_28 = arith.andi %ne3A_27, %ne3A_23 : i1
    %add3A_29 = arith.addi %rem3A_21, %select_n3A_20 : i32
    %select_n3A_30 = arith.select %and3A_28, %add3A_29, %rem3A_21 : i32
    %mul3A_31 = arith.constant 128 : i32
    %mul3A_32 = arith.muli %select_n3A_30, %mul3A_31 : i32
    "tpu.region"() ({
      %run_scoped3A = tpu.sem_alloc : memref<!tpu.dma_semaphore, #tpu.memory_space<semaphore_mem>>
      %dma_start3A_120 = arith.constant 0 : i32
      %dma_start3A_121 = tpu.memref_slice %arg3[%mul3A_32, %dma_start3A_120] : memref<2048x2xi32, #tpu.memory_space<hbm>> -> memref<128x2xi32, #tpu.memory_space<hbm>>
      %dma_start3A_122 = arith.constant 0 : i32
      %dma_start3A_123 = tpu.memref_slice %arg3[%mul3A_32, %dma_start3A_122] : memref<2048x2xi32, #tpu.memory_space<hbm>> -> memref<128x2xi32, #tpu.memory_space<hbm>>
      tpu.enqueue_dma source(%dma_start3A_123 : memref<128x2xi32, #tpu.memory_space<hbm>>) target(%arg5 : memref<128x2xi32, #tpu.memory_space<vmem>>) target_semaphore(%run_scoped3A : memref<!tpu.dma_semaphore, #tpu.memory_space<semaphore_mem>>)
      %dma_wait3A_124 = arith.constant 0 : i32
      %dma_wait3A_125 = tpu.memref_slice %arg3[%mul3A_32, %dma_wait3A_124] : memref<2048x2xi32, #tpu.memory_space<hbm>> -> memref<128x2xi32, #tpu.memory_space<hbm>>
      %dma_wait3A_126 = arith.constant 0 : i32
      %dma_wait3A_127 = tpu.memref_slice %arg3[%mul3A_32, %dma_wait3A_126] : memref<2048x2xi32, #tpu.memory_space<hbm>> -> memref<128x2xi32, #tpu.memory_space<hbm>>
      tpu.wait_dma2 semaphore(%run_scoped3A : memref<!tpu.dma_semaphore, #tpu.memory_space<semaphore_mem>>) src(%dma_wait3A_127 : memref<128x2xi32, #tpu.memory_space<hbm>>) dst(%arg5 : memref<128x2xi32, #tpu.memory_space<vmem>>)
      tpu.yield
    }) : () -> ()
    %dma_start3A = arith.constant 0 : i32
    %dma_start3A_33 = tpu.memref_slice %arg2[%mul3A_32, %dma_start3A] : memref<2048x768xf32, #tpu.memory_space<hbm>> -> memref<64x768xf32, #tpu.memory_space<hbm>>
    %dma_start3A_34 = arith.constant 0 : i32
    %dma_start3A_35 = tpu.memref_slice %arg2[%mul3A_32, %dma_start3A_34] : memref<2048x768xf32, #tpu.memory_space<hbm>> -> memref<64x768xf32, #tpu.memory_space<hbm>>
    tpu.enqueue_dma source(%dma_start3A_35 : memref<64x768xf32, #tpu.memory_space<hbm>>) target(%arg8 : memref<64x768xf32, #tpu.memory_space<vmem>>) target_semaphore(%arg10 : memref<!tpu.dma_semaphore, #tpu.memory_space<semaphore_mem>>)
    %add3A_36 = arith.constant 64 : i32
    %add3A_37 = arith.addi %mul3A_32, %add3A_36 : i32
    %dma_start3A_38 = arith.constant 0 : i32
    %dma_start3A_39 = tpu.memref_slice %arg2[%add3A_37, %dma_start3A_38] : memref<2048x768xf32, #tpu.memory_space<hbm>> -> memref<64x768xf32, #tpu.memory_space<hbm>>
    %dma_start3A_40 = arith.constant 0 : i32
    %dma_start3A_41 = tpu.memref_slice %arg2[%add3A_37, %dma_start3A_40] : memref<2048x768xf32, #tpu.memory_space<hbm>> -> memref<64x768xf32, #tpu.memory_space<hbm>>
    tpu.enqueue_dma source(%dma_start3A_41 : memref<64x768xf32, #tpu.memory_space<hbm>>) target(%arg9 : memref<64x768xf32, #tpu.memory_space<vmem>>) target_semaphore(%arg10 : memref<!tpu.dma_semaphore, #tpu.memory_space<semaphore_mem>>)
    %iota3A = tpu.iota {dimensions = array<i32: 0>} : vector<16xi32>
    %mul3A_42 = arith.constant 0 : i32
    %mul3A_43 = vector.broadcast %mul3A_42 : i32 to vector<16xi32>
    %mul3A_44 = arith.muli %iota3A, %mul3A_43 : vector<16xi32>
    %add3A_45 = vector.broadcast %select_n3A : i32 to vector<16xi32>
    %add3A_46 = arith.addi %mul3A_44, %add3A_45 : vector<16xi32>
    %iota3A_47 = tpu.iota {dimensions = array<i32: 0>} : vector<16xi32>
    %add3A_48 = arith.constant 0 : i32
    %add3A_49 = vector.broadcast %add3A_48 : i32 to vector<16xi32>
    %add3A_50 = arith.addi %iota3A_47, %add3A_49 : vector<16xi32>
    %gather3A = tpu.vector_load_idx %arg5[%add3A_50, %add3A_46] : memref<128x2xi32, #tpu.memory_space<vmem>>[vector<16xi32>, vector<16xi32>], vector<16xi32>,
    %swap3A = arith.constant 0 : index
    %swap3A_51 = tpu.vector_load %arg6[%swap3A] {strides = array<i32>} : memref<64xi32, #tpu.memory_space<vmem>>, vector<16xi32>,
    tpu.vector_store %arg6[%swap3A], %gather3A {strides = array<i32>} : memref<64xi32, #tpu.memory_space<vmem>>, vector<16xi32>,
    %iota3A_52 = tpu.iota {dimensions = array<i32: 0>} : vector<16xi32>
    %add3A_53 = arith.constant 16 : i32
    %add3A_54 = vector.broadcast %add3A_53 : i32 to vector<16xi32>
    %add3A_55 = arith.addi %iota3A_52, %add3A_54 : vector<16xi32>
    %gather3A_56 = tpu.vector_load_idx %arg5[%add3A_55, %add3A_46] : memref<128x2xi32, #tpu.memory_space<vmem>>[vector<16xi32>, vector<16xi32>], vector<16xi32>,
    %swap3A_57 = arith.constant 16 : index
    %swap3A_58 = tpu.vector_load %arg6[%swap3A_57] {strides = array<i32>} : memref<64xi32, #tpu.memory_space<vmem>>, vector<16xi32>,
    tpu.vector_store %arg6[%swap3A_57], %gather3A_56 {strides = array<i32>} : memref<64xi32, #tpu.memory_space<vmem>>, vector<16xi32>,
    %iota3A_59 = tpu.iota {dimensions = array<i32: 0>} : vector<16xi32>
    %add3A_60 = arith.constant 32 : i32
    %add3A_61 = vector.broadcast %add3A_60 : i32 to vector<16xi32>
    %add3A_62 = arith.addi %iota3A_59, %add3A_61 : vector<16xi32>
    %gather3A_63 = tpu.vector_load_idx %arg5[%add3A_62, %add3A_46] : memref<128x2xi32, #tpu.memory_space<vmem>>[vector<16xi32>, vector<16xi32>], vector<16xi32>,
    %swap3A_64 = arith.constant 32 : index
    %swap3A_65 = tpu.vector_load %arg6[%swap3A_64] {strides = array<i32>} : memref<64xi32, #tpu.memory_space<vmem>>, vector<16xi32>,
    tpu.vector_store %arg6[%swap3A_64], %gather3A_63 {strides = array<i32>} : memref<64xi32, #tpu.memory_space<vmem>>, vector<16xi32>,
    %iota3A_66 = tpu.iota {dimensions = array<i32: 0>} : vector<16xi32>
    %add3A_67 = arith.constant 48 : i32
    %add3A_68 = vector.broadcast %add3A_67 : i32 to vector<16xi32>
    %add3A_69 = arith.addi %iota3A_66, %add3A_68 : vector<16xi32>
    %gather3A_70 = tpu.vector_load_idx %arg5[%add3A_69, %add3A_46] : memref<128x2xi32, #tpu.memory_space<vmem>>[vector<16xi32>, vector<16xi32>], vector<16xi32>,
    %swap3A_71 = arith.constant 48 : index
    %swap3A_72 = tpu.vector_load %arg6[%swap3A_71] {strides = array<i32>} : memref<64xi32, #tpu.memory_space<vmem>>, vector<16xi32>,
    tpu.vector_store %arg6[%swap3A_71], %gather3A_70 {strides = array<i32>} : memref<64xi32, #tpu.memory_space<vmem>>, vector<16xi32>,
    %iota3A_73 = tpu.iota {dimensions = array<i32: 0>} : vector<16xi32>
    %add3A_74 = arith.constant 64 : i32
    %add3A_75 = vector.broadcast %add3A_74 : i32 to vector<16xi32>
    %add3A_76 = arith.addi %iota3A_73, %add3A_75 : vector<16xi32>
    %gather3A_77 = tpu.vector_load_idx %arg5[%add3A_76, %add3A_46] : memref<128x2xi32, #tpu.memory_space<vmem>>[vector<16xi32>, vector<16xi32>], vector<16xi32>,
    %swap3A_78 = arith.constant 0 : index
    %swap3A_79 = tpu.vector_load %arg7[%swap3A_78] {strides = array<i32>} : memref<64xi32, #tpu.memory_space<vmem>>, vector<16xi32>,
    tpu.vector_store %arg7[%swap3A_78], %gather3A_77 {strides = array<i32>} : memref<64xi32, #tpu.memory_space<vmem>>, vector<16xi32>,
    %iota3A_80 = tpu.iota {dimensions = array<i32: 0>} : vector<16xi32>
    %add3A_81 = arith.constant 80 : i32
    %add3A_82 = vector.broadcast %add3A_81 : i32 to vector<16xi32>
    %add3A_83 = arith.addi %iota3A_80, %add3A_82 : vector<16xi32>
    %gather3A_84 = tpu.vector_load_idx %arg5[%add3A_83, %add3A_46] : memref<128x2xi32, #tpu.memory_space<vmem>>[vector<16xi32>, vector<16xi32>], vector<16xi32>,
    %swap3A_85 = arith.constant 16 : index
    %swap3A_86 = tpu.vector_load %arg7[%swap3A_85] {strides = array<i32>} : memref<64xi32, #tpu.memory_space<vmem>>, vector<16xi32>,
    tpu.vector_store %arg7[%swap3A_85], %gather3A_84 {strides = array<i32>} : memref<64xi32, #tpu.memory_space<vmem>>, vector<16xi32>,
    %iota3A_87 = tpu.iota {dimensions = array<i32: 0>} : vector<16xi32>
    %add3A_88 = arith.constant 96 : i32
    %add3A_89 = vector.broadcast %add3A_88 : i32 to vector<16xi32>
    %add3A_90 = arith.addi %iota3A_87, %add3A_89 : vector<16xi32>
    %gather3A_91 = tpu.vector_load_idx %arg5[%add3A_90, %add3A_46] : memref<128x2xi32, #tpu.memory_space<vmem>>[vector<16xi32>, vector<16xi32>], vector<16xi32>,
    %swap3A_92 = arith.constant 32 : index
    %swap3A_93 = tpu.vector_load %arg7[%swap3A_92] {strides = array<i32>} : memref<64xi32, #tpu.memory_space<vmem>>, vector<16xi32>,
    tpu.vector_store %arg7[%swap3A_92], %gather3A_91 {strides = array<i32>} : memref<64xi32, #tpu.memory_space<vmem>>, vector<16xi32>,
    %iota3A_94 = tpu.iota {dimensions = array<i32: 0>} : vector<16xi32>
    %add3A_95 = arith.constant 112 : i32
    %add3A_96 = vector.broadcast %add3A_95 : i32 to vector<16xi32>
    %add3A_97 = arith.addi %iota3A_94, %add3A_96 : vector<16xi32>
    %gather3A_98 = tpu.vector_load_idx %arg5[%add3A_97, %add3A_46] : memref<128x2xi32, #tpu.memory_space<vmem>>[vector<16xi32>, vector<16xi32>], vector<16xi32>,
    %swap3A_99 = arith.constant 48 : index
    %swap3A_100 = tpu.vector_load %arg7[%swap3A_99] {strides = array<i32>} : memref<64xi32, #tpu.memory_space<vmem>>, vector<16xi32>,
    tpu.vector_store %arg7[%swap3A_99], %gather3A_98 {strides = array<i32>} : memref<64xi32, #tpu.memory_space<vmem>>, vector<16xi32>,
    %dma_wait3A = arith.constant 0 : i32
    %dma_wait3A_101 = tpu.memref_slice %arg2[%mul3A_32, %dma_wait3A] : memref<2048x768xf32, #tpu.memory_space<hbm>> -> memref<64x768xf32, #tpu.memory_space<hbm>>
    %dma_wait3A_102 = arith.constant 0 : i32
    %dma_wait3A_103 = tpu.memref_slice %arg2[%mul3A_32, %dma_wait3A_102] : memref<2048x768xf32, #tpu.memory_space<hbm>> -> memref<64x768xf32, #tpu.memory_space<hbm>>
    tpu.wait_dma2 semaphore(%arg10 : memref<!tpu.dma_semaphore, #tpu.memory_space<semaphore_mem>>) src(%dma_wait3A_103 : memref<64x768xf32, #tpu.memory_space<hbm>>) dst(%arg8 : memref<64x768xf32, #tpu.memory_space<vmem>>)
    %dma_start3A_104 = arith.constant 0 : i32
    %dma_start3A_105 = arith.constant 0 : i32
    %dma_start3A_106 = tpu.memref_slice %arg4[%dma_start3A_104, %dma_start3A_105] : memref<4096x768xf32, #tpu.memory_space<hbm>> -> memref<4096x768xf32, #tpu.memory_space<hbm>>
    tpu.enqueue_indirect_dma source(%arg8 : memref<64x768xf32, #tpu.memory_space<vmem>>) target(%dma_start3A_106 : memref<4096x768xf32, #tpu.memory_space<hbm>>) offsets(%arg6 : memref<64xi32, #tpu.memory_space<vmem>>) semaphore(%arg11 : memref<!tpu.dma_semaphore, #tpu.memory_space<semaphore_mem>>)
    %dma_wait3A_107 = arith.constant 0 : i32
    %dma_wait3A_108 = tpu.memref_slice %arg2[%add3A_37, %dma_wait3A_107] : memref<2048x768xf32, #tpu.memory_space<hbm>> -> memref<64x768xf32, #tpu.memory_space<hbm>>
    %dma_wait3A_109 = arith.constant 0 : i32
    %dma_wait3A_110 = tpu.memref_slice %arg2[%add3A_37, %dma_wait3A_109] : memref<2048x768xf32, #tpu.memory_space<hbm>> -> memref<64x768xf32, #tpu.memory_space<hbm>>
    tpu.wait_dma2 semaphore(%arg10 : memref<!tpu.dma_semaphore, #tpu.memory_space<semaphore_mem>>) src(%dma_wait3A_110 : memref<64x768xf32, #tpu.memory_space<hbm>>) dst(%arg9 : memref<64x768xf32, #tpu.memory_space<vmem>>)
    %dma_start3A_111 = arith.constant 0 : i32
    %dma_start3A_112 = arith.constant 0 : i32
    %dma_start3A_113 = tpu.memref_slice %arg4[%dma_start3A_111, %dma_start3A_112] : memref<4096x768xf32, #tpu.memory_space<hbm>> -> memref<4096x768xf32, #tpu.memory_space<hbm>>
    tpu.enqueue_indirect_dma source(%arg9 : memref<64x768xf32, #tpu.memory_space<vmem>>) target(%dma_start3A_113 : memref<4096x768xf32, #tpu.memory_space<hbm>>) offsets(%arg7 : memref<64xi32, #tpu.memory_space<vmem>>) semaphore(%arg11 : memref<!tpu.dma_semaphore, #tpu.memory_space<semaphore_mem>>)
    %dma_wait3A_114 = arith.constant 0 : i32
    %dma_wait3A_115 = arith.constant 0 : i32
    %dma_wait3A_116 = tpu.memref_slice %arg4[%dma_wait3A_114, %dma_wait3A_115] : memref<4096x768xf32, #tpu.memory_space<hbm>> -> memref<4096x768xf32, #tpu.memory_space<hbm>>
    tpu.wait_indirect_dma semaphore(%arg11 : memref<!tpu.dma_semaphore, #tpu.memory_space<semaphore_mem>>) src(%arg8 : memref<64x768xf32, #tpu.memory_space<vmem>>) dst(%dma_wait3A_116 : memref<4096x768xf32, #tpu.memory_space<hbm>>)
    %dma_wait3A_117 = arith.constant 0 : i32
    %dma_wait3A_118 = arith.constant 0 : i32
    %dma_wait3A_119 = tpu.memref_slice %arg4[%dma_wait3A_117, %dma_wait3A_118] : memref<4096x768xf32, #tpu.memory_space<hbm>> -> memref<4096x768xf32, #tpu.memory_space<hbm>>
    tpu.wait_indirect_dma semaphore(%arg11 : memref<!tpu.dma_semaphore, #tpu.memory_space<semaphore_mem>>) src(%arg9 : memref<64x768xf32, #tpu.memory_space<vmem>>) dst(%dma_wait3A_119 : memref<4096x768xf32, #tpu.memory_space<hbm>>)
    return
  }
}

module attributes {stable_mosaic.version = 14 : i64} {
  func.func @_head_fold_body(%arg0: i32, %arg1: memref<1x1536x768xf32, #tpu.memory_space<vmem>>, %arg2: memref<1x1x768xf32, #tpu.memory_space<vmem>>, %arg3: memref<768x1xf32, #tpu.memory_space<vmem>>, %arg4: memref<1x1536x1xf32, #tpu.memory_space<vmem>>, %arg5: memref<1x1x1xf32, #tpu.memory_space<vmem>>) attributes {dimension_semantics = [#tpu.dimension_semantics<arbitrary>], iteration_bounds = array<i64: 8>, scalar_prefetch = 0 : i64, scratch_operands = 0 : i64, tpu.core_type = #tpu.core_type<tc>, window_params = [{transform_indices = @transform_0, window_bounds = array<i64: 1, 1536, 768>}, {transform_indices = @transform_1, window_bounds = array<i64: 1, 1, 768>}, {pipeline_mode = #tpu.pipeline_mode<synchronous>, transform_indices = @transform_2, window_bounds = array<i64: 768, 1>}, {transform_indices = @transform_3, window_bounds = array<i64: 1, 1536, 1>}, {transform_indices = @transform_4, window_bounds = array<i64: 1, 1, 1>}]} {
    %get3A = arith.constant 0 : index
    %get3A_0 = arith.constant 0 : index
    %get3A_1 = vector.load %arg3[%get3A, %get3A_0] : memref<768x1xf32, #tpu.memory_space<vmem>>, vector<768x1xf32>
    %get3A_2 = arith.constant 0 : index
    %get3A_3 = arith.constant 0 : index
    %get3A_4 = arith.constant 0 : index
    %get3A_5 = vector.load %arg1[%get3A_2, %get3A_3, %get3A_4] : memref<1x1536x768xf32, #tpu.memory_space<vmem>>, vector<1x1536x768xf32>
    %get3A_6 = vector.shape_cast %get3A_5 : vector<1x1536x768xf32> to vector<1536x768xf32>
    %dot_general3A = arith.constant dense<0.000000e+00> : vector<1536x1xf32>
    %dot_general3A_7 = tpu.matmul %get3A_6, %get3A_1, %dot_general3A {dimension_numbers = #tpu.dot_dimension_numbers<[1], [0], [0], [1], [0, 0, 1, 1], [], []>, transpose_lhs_hint = false} : vector<1536x768xf32>, vector<768x1xf32>, vector<1536x1xf32> -> vector<1536x1xf32>
    %broadcast_in_dim3A = vector.shape_cast %dot_general3A_7 : vector<1536x1xf32> to vector<1x1536x1xf32>
    %swap3A = arith.constant 0 : index
    %swap3A_8 = arith.constant 0 : index
    %swap3A_9 = arith.constant 0 : index
    %swap3A_10 = vector.load %arg4[%swap3A, %swap3A_8, %swap3A_9] : memref<1x1536x1xf32, #tpu.memory_space<vmem>>, vector<1x1536x1xf32>
    tpu.vector_store %arg4[%swap3A, %swap3A_8, %swap3A_9], %broadcast_in_dim3A {strides = array<i32>} : memref<1x1536x1xf32, #tpu.memory_space<vmem>>, vector<1x1536x1xf32>,
    %get3A_11 = arith.constant 0 : index
    %get3A_12 = arith.constant 0 : index
    %get3A_13 = arith.constant 0 : index
    %get3A_14 = vector.load %arg2[%get3A_11, %get3A_12, %get3A_13] : memref<1x1x768xf32, #tpu.memory_space<vmem>>, vector<1x1x768xf32>
    %get3A_15 = vector.shape_cast %get3A_14 : vector<1x1x768xf32> to vector<1x768xf32>
    %dot_general3A_16 = arith.constant dense<0.000000e+00> : vector<1x1xf32>
    %dot_general3A_17 = tpu.matmul %get3A_15, %get3A_1, %dot_general3A_16 {dimension_numbers = #tpu.dot_dimension_numbers<[1], [0], [0], [1], [0, 0, 1, 1], [], []>, transpose_lhs_hint = false} : vector<1x768xf32>, vector<768x1xf32>, vector<1x1xf32> -> vector<1x1xf32>
    %broadcast_in_dim3A_18 = vector.shape_cast %dot_general3A_17 : vector<1x1xf32> to vector<1x1x1xf32>
    %swap3A_19 = arith.constant 0 : index
    %swap3A_20 = arith.constant 0 : index
    %swap3A_21 = arith.constant 0 : index
    %swap3A_22 = vector.load %arg5[%swap3A_19, %swap3A_20, %swap3A_21] : memref<1x1x1xf32, #tpu.memory_space<vmem>>, vector<1x1x1xf32>
    tpu.vector_store %arg5[%swap3A_19, %swap3A_20, %swap3A_21], %broadcast_in_dim3A_18 {strides = array<i32>} : memref<1x1x1xf32, #tpu.memory_space<vmem>>, vector<1x1x1xf32>,
    return
  }
  func.func @transform_0(%arg0: i32) -> (i32, i32, i32) {
    %c0_i32 = arith.constant 0 : i32
    %c0_i32_0 = arith.constant 0 : i32
    %c0_i32_1 = arith.constant 0 : i32
    return %arg0, %c0_i32, %c0_i32_0 : i32, i32, i32
  }
  func.func @transform_1(%arg0: i32) -> (i32, i32, i32) {
    %c0_i32 = arith.constant 0 : i32
    %c0_i32_0 = arith.constant 0 : i32
    %c0_i32_1 = arith.constant 0 : i32
    return %arg0, %c0_i32, %c0_i32_0 : i32, i32, i32
  }
  func.func @transform_2(%arg0: i32) -> (i32, i32) {
    %c0_i32 = arith.constant 0 : i32
    %c0_i32_0 = arith.constant 0 : i32
    %c0_i32_1 = arith.constant 0 : i32
    return %c0_i32, %c0_i32_0 : i32, i32
  }
  func.func @transform_3(%arg0: i32) -> (i32, i32, i32) {
    %c0_i32 = arith.constant 0 : i32
    %c0_i32_0 = arith.constant 0 : i32
    %c0_i32_1 = arith.constant 0 : i32
    return %arg0, %c0_i32, %c0_i32_0 : i32, i32, i32
  }
  func.func @transform_4(%arg0: i32) -> (i32, i32, i32) {
    %c0_i32 = arith.constant 0 : i32
    %c0_i32_0 = arith.constant 0 : i32
    %c0_i32_1 = arith.constant 0 : i32
    return %arg0, %c0_i32, %c0_i32_0 : i32, i32, i32
  }
}

module attributes {stable_mosaic.version = 14 : i64} {
  func.func @_ffn_body(%arg0: i32, %arg1: memref<1x23xi32, #tpu.memory_space<smem>>, %arg2: memref<1x23xi32, #tpu.memory_space<smem>>, %arg3: memref<1x23xi32, #tpu.memory_space<smem>>, %arg4: memref<1x23xi32, #tpu.memory_space<smem>>, %arg5: memref<256x768xf32, #tpu.memory_space<vmem>>, %arg6: memref<1x768x1536xf32, #tpu.memory_space<vmem>>, %arg7: memref<1x1x1536xf32, #tpu.memory_space<vmem>>, %arg8: memref<1x1536x1xf32, #tpu.memory_space<vmem>>, %arg9: memref<1x1x1xf32, #tpu.memory_space<vmem>>, %arg10: memref<4096x1xf32, #tpu.memory_space<vmem>>) attributes {dimension_semantics = [#tpu.dimension_semantics<arbitrary>], iteration_bounds = array<i64: 23>, scalar_prefetch = 4 : i64, scratch_operands = 0 : i64, tpu.core_type = #tpu.core_type<tc>, window_params = [{transform_indices = @transform_0, window_bounds = array<i64: 256, 768>}, {transform_indices = @transform_1, window_bounds = array<i64: 1, 768, 1536>}, {transform_indices = @transform_2, window_bounds = array<i64: 1, 1, 1536>}, {transform_indices = @transform_3, window_bounds = array<i64: 1, 1536, 1>}, {transform_indices = @transform_4, window_bounds = array<i64: 1, 1, 1>}, {pipeline_mode = #tpu.pipeline_mode<synchronous>, transform_indices = @transform_5, window_bounds = array<i64: 4096, 1>}]} {
    %get3A = arith.constant 0 : index
    %get3A_0 = arith.index_cast %arg0 : i32 to index
    %get3A_1 = memref.load %arg1[%get3A, %get3A_0] : memref<1x23xi32, #tpu.memory_space<smem>>
    %get3A_2 = arith.constant 0 : index
    %get3A_3 = arith.constant 0 : index
    %get3A_4 = vector.load %arg5[%get3A_2, %get3A_3] : memref<256x768xf32, #tpu.memory_space<vmem>>, vector<256x768xf32>
    %convert_element_type3A = arith.truncf %get3A_4 : vector<256x768xf32> to vector<256x768xbf16>
    %get3A_5 = arith.constant 0 : index
    %get3A_6 = arith.constant 0 : index
    %get3A_7 = arith.constant 0 : index
    %get3A_8 = vector.load %arg6[%get3A_5, %get3A_6, %get3A_7] : memref<1x768x1536xf32, #tpu.memory_space<vmem>>, vector<1x768x1536xf32>
    %get3A_9 = vector.shape_cast %get3A_8 : vector<1x768x1536xf32> to vector<768x1536xf32>
    %convert_element_type3A_10 = arith.truncf %get3A_9 : vector<768x1536xf32> to vector<768x1536xbf16>
    %dot_general3A = arith.constant dense<0.000000e+00> : vector<256x1536xf32>
    %dot_general3A_11 = tpu.matmul %convert_element_type3A, %convert_element_type3A_10, %dot_general3A {dimension_numbers = #tpu.dot_dimension_numbers<[1], [0], [0], [1], [0, 0, 1, 1], [], []>, transpose_lhs_hint = false} : vector<256x768xbf16>, vector<768x1536xbf16>, vector<256x1536xf32> -> vector<256x1536xf32>
    %get3A_12 = arith.constant 0 : index
    %get3A_13 = arith.constant 0 : index
    %get3A_14 = arith.constant 0 : index
    %get3A_15 = vector.load %arg7[%get3A_12, %get3A_13, %get3A_14] : memref<1x1x1536xf32, #tpu.memory_space<vmem>>, vector<1x1x1536xf32>
    %get3A_16 = vector.shape_cast %get3A_15 : vector<1x1x1536xf32> to vector<1536xf32>
    %broadcast_in_dim3A = vector.shape_cast %get3A_16 : vector<1536xf32> to vector<1x1536xf32>
    %add3A = vector.broadcast %broadcast_in_dim3A : vector<1x1536xf32> to vector<256x1536xf32>
    %add3A_17 = arith.addf %dot_general3A_11, %add3A : vector<256x1536xf32>
    %integer_pow3A = arith.mulf %add3A_17, %add3A_17 : vector<256x1536xf32>
    %integer_pow3A_18 = arith.mulf %add3A_17, %integer_pow3A : vector<256x1536xf32>
    %mul3A = arith.constant 4.471500e-02 : f32
    %mul3A_19 = vector.broadcast %mul3A : f32 to vector<256x1536xf32>
    %mul3A_20 = arith.mulf %mul3A_19, %integer_pow3A_18 : vector<256x1536xf32>
    %add3A_21 = arith.addf %add3A_17, %mul3A_20 : vector<256x1536xf32>
    %mul3A_22 = arith.constant 0.797884583 : f32
    %mul3A_23 = vector.broadcast %mul3A_22 : f32 to vector<256x1536xf32>
    %mul3A_24 = arith.mulf %mul3A_23, %add3A_21 : vector<256x1536xf32>
    %tanh3A = math.tanh %mul3A_24 : vector<256x1536xf32>
    %add3A_25 = arith.constant 1.000000e+00 : f32
    %add3A_26 = vector.broadcast %add3A_25 : f32 to vector<256x1536xf32>
    %add3A_27 = arith.addf %add3A_26, %tanh3A : vector<256x1536xf32>
    %mul3A_28 = arith.constant 5.000000e-01 : f32
    %mul3A_29 = vector.broadcast %mul3A_28 : f32 to vector<256x1536xf32>
    %mul3A_30 = arith.mulf %mul3A_29, %add3A_27 : vector<256x1536xf32>
    %mul3A_31 = arith.mulf %add3A_17, %mul3A_30 : vector<256x1536xf32>
    %get3A_32 = arith.constant 0 : index
    %get3A_33 = arith.constant 0 : index
    %get3A_34 = arith.constant 0 : index
    %get3A_35 = vector.load %arg8[%get3A_32, %get3A_33, %get3A_34] : memref<1x1536x1xf32, #tpu.memory_space<vmem>>, vector<1x1536x1xf32>
    %get3A_36 = vector.shape_cast %get3A_35 : vector<1x1536x1xf32> to vector<1536x1xf32>
    %dot_general3A_37 = arith.constant dense<0.000000e+00> : vector<256x1xf32>
    %dot_general3A_38 = tpu.matmul %mul3A_31, %get3A_36, %dot_general3A_37 {dimension_numbers = #tpu.dot_dimension_numbers<[1], [0], [0], [1], [0, 0, 1, 1], [], []>, transpose_lhs_hint = false} : vector<256x1536xf32>, vector<1536x1xf32>, vector<256x1xf32> -> vector<256x1xf32>
    %get3A_39 = arith.constant 0 : index
    %get3A_40 = arith.constant 0 : index
    %get3A_41 = arith.constant 0 : index
    %get3A_42 = vector.load %arg9[%get3A_39, %get3A_40, %get3A_41] : memref<1x1x1xf32, #tpu.memory_space<vmem>>, vector<1x1x1xf32>
    %get3A_43 = vector.extract %get3A_42[0, 0, 0] : f32 from vector<1x1x1xf32>
    %add3A_44 = vector.broadcast %get3A_43 : f32 to vector<256x1xf32>
    %add3A_45 = arith.addf %dot_general3A_38, %add3A_44 : vector<256x1xf32>
    %mul3A_46 = arith.constant 256 : i32
    %mul3A_47 = arith.muli %get3A_1, %mul3A_46 : i32
    %iota3A = tpu.iota {dimensions = array<i32: 0>} : vector<256x1xi32>
    %add3A_48 = vector.broadcast %mul3A_47 : i32 to vector<256x1xi32>
    %add3A_49 = arith.addi %add3A_48, %iota3A : vector<256x1xi32>
    %get3A_50 = arith.constant 0 : index
    %get3A_51 = arith.index_cast %arg0 : i32 to index
    %get3A_52 = memref.load %arg3[%get3A_50, %get3A_51] : memref<1x23xi32, #tpu.memory_space<smem>>
    %ge3A = vector.broadcast %get3A_52 : i32 to vector<256x1xi32>
    %ge3A_53 = arith.cmpi sge, %add3A_49, %ge3A : vector<256x1xi32>
    %get3A_54 = arith.constant 0 : index
    %get3A_55 = arith.index_cast %arg0 : i32 to index
    %get3A_56 = memref.load %arg4[%get3A_54, %get3A_55] : memref<1x23xi32, #tpu.memory_space<smem>>
    %lt3A = vector.broadcast %get3A_56 : i32 to vector<256x1xi32>
    %lt3A_57 = arith.cmpi slt, %add3A_49, %lt3A : vector<256x1xi32>
    %and3A = arith.andi %ge3A_53, %lt3A_57 : vector<256x1xi1>
    %jit3A = arith.constant 0.000000e+00 : f32
    %broadcast_in_dim3A_58 = vector.broadcast %jit3A : f32 to vector<256x1xf32>
    %select_n3A = arith.select %and3A, %add3A_45, %broadcast_in_dim3A_58 : vector<256x1xi1>, vector<256x1xf32>
    %eq3A = arith.constant 0 : i32
    %eq3A_59 = arith.cmpi eq, %arg0, %eq3A : i32
    %convert_element_type3A_60 = arith.extui %eq3A_59 : i1 to i32
    %cond3A = arith.constant 0 : i32
    %cond3A_61 = arith.cmpi ne, %convert_element_type3A_60, %cond3A : i32
    scf.if %cond3A_61 {
      %broadcast_in_dim3A_72 = arith.constant 0.000000e+00 : f32
      %broadcast_in_dim3A_73 = vector.broadcast %broadcast_in_dim3A_72 : f32 to vector<4096x1xf32>
      %swap3A_74 = arith.constant 0 : index
      %swap3A_75 = arith.constant 0 : index
      %swap3A_76 = vector.load %arg10[%swap3A_74, %swap3A_75] : memref<4096x1xf32, #tpu.memory_space<vmem>>, vector<4096x1xf32>
      tpu.vector_store %arg10[%swap3A_74, %swap3A_75], %broadcast_in_dim3A_73 {strides = array<i32>} : memref<4096x1xf32, #tpu.memory_space<vmem>>, vector<4096x1xf32>,
    } else {
    }
    %mul3A_62 = arith.constant 256 : i32
    %mul3A_63 = arith.muli %get3A_1, %mul3A_62 : i32
    %get3A_64 = arith.index_cast %mul3A_63 : i32 to index
    %get3A_65 = arith.constant 0 : index
    %get3A_66 = vector.load %arg10[%get3A_64, %get3A_65] : memref<4096x1xf32, #tpu.memory_space<vmem>>, vector<256x1xf32>
    %add3A_67 = arith.addf %get3A_66, %select_n3A : vector<256x1xf32>
    %mul3A_68 = arith.constant 256 : i32
    %mul3A_69 = arith.muli %get3A_1, %mul3A_68 : i32
    %swap3A = arith.index_cast %mul3A_69 : i32 to index
    %swap3A_70 = arith.constant 0 : index
    %swap3A_71 = vector.load %arg10[%swap3A, %swap3A_70] : memref<4096x1xf32, #tpu.memory_space<vmem>>, vector<256x1xf32>
    tpu.vector_store %arg10[%swap3A, %swap3A_70], %add3A_67 {strides = array<i32>} : memref<4096x1xf32, #tpu.memory_space<vmem>>, vector<256x1xf32>,
    return
  }
  func.func @transform_0(%arg0: i32, %arg1: memref<1x23xi32, #tpu.memory_space<smem>>, %arg2: memref<1x23xi32, #tpu.memory_space<smem>>, %arg3: memref<1x23xi32, #tpu.memory_space<smem>>, %arg4: memref<1x23xi32, #tpu.memory_space<smem>>) -> (i32, i32) {
    %get3A = arith.constant 0 : index
    %get3A_0 = arith.index_cast %arg0 : i32 to index
    %get3A_1 = memref.load %arg1[%get3A, %get3A_0] : memref<1x23xi32, #tpu.memory_space<smem>>
    %c0_i32 = arith.constant 0 : i32
    %c0_i32_2 = arith.constant 0 : i32
    return %get3A_1, %c0_i32 : i32, i32
  }
  func.func @transform_1(%arg0: i32, %arg1: memref<1x23xi32, #tpu.memory_space<smem>>, %arg2: memref<1x23xi32, #tpu.memory_space<smem>>, %arg3: memref<1x23xi32, #tpu.memory_space<smem>>, %arg4: memref<1x23xi32, #tpu.memory_space<smem>>) -> (i32, i32, i32) {
    %get3A = arith.constant 0 : index
    %get3A_0 = arith.index_cast %arg0 : i32 to index
    %get3A_1 = memref.load %arg2[%get3A, %get3A_0] : memref<1x23xi32, #tpu.memory_space<smem>>
    %c0_i32 = arith.constant 0 : i32
    %c0_i32_2 = arith.constant 0 : i32
    %c0_i32_3 = arith.constant 0 : i32
    return %get3A_1, %c0_i32, %c0_i32_2 : i32, i32, i32
  }
  func.func @transform_2(%arg0: i32, %arg1: memref<1x23xi32, #tpu.memory_space<smem>>, %arg2: memref<1x23xi32, #tpu.memory_space<smem>>, %arg3: memref<1x23xi32, #tpu.memory_space<smem>>, %arg4: memref<1x23xi32, #tpu.memory_space<smem>>) -> (i32, i32, i32) {
    %get3A = arith.constant 0 : index
    %get3A_0 = arith.index_cast %arg0 : i32 to index
    %get3A_1 = memref.load %arg2[%get3A, %get3A_0] : memref<1x23xi32, #tpu.memory_space<smem>>
    %c0_i32 = arith.constant 0 : i32
    %c0_i32_2 = arith.constant 0 : i32
    %c0_i32_3 = arith.constant 0 : i32
    return %get3A_1, %c0_i32, %c0_i32_2 : i32, i32, i32
  }
  func.func @transform_3(%arg0: i32, %arg1: memref<1x23xi32, #tpu.memory_space<smem>>, %arg2: memref<1x23xi32, #tpu.memory_space<smem>>, %arg3: memref<1x23xi32, #tpu.memory_space<smem>>, %arg4: memref<1x23xi32, #tpu.memory_space<smem>>) -> (i32, i32, i32) {
    %get3A = arith.constant 0 : index
    %get3A_0 = arith.index_cast %arg0 : i32 to index
    %get3A_1 = memref.load %arg2[%get3A, %get3A_0] : memref<1x23xi32, #tpu.memory_space<smem>>
    %c0_i32 = arith.constant 0 : i32
    %c0_i32_2 = arith.constant 0 : i32
    %c0_i32_3 = arith.constant 0 : i32
    return %get3A_1, %c0_i32, %c0_i32_2 : i32, i32, i32
  }
  func.func @transform_4(%arg0: i32, %arg1: memref<1x23xi32, #tpu.memory_space<smem>>, %arg2: memref<1x23xi32, #tpu.memory_space<smem>>, %arg3: memref<1x23xi32, #tpu.memory_space<smem>>, %arg4: memref<1x23xi32, #tpu.memory_space<smem>>) -> (i32, i32, i32) {
    %get3A = arith.constant 0 : index
    %get3A_0 = arith.index_cast %arg0 : i32 to index
    %get3A_1 = memref.load %arg2[%get3A, %get3A_0] : memref<1x23xi32, #tpu.memory_space<smem>>
    %c0_i32 = arith.constant 0 : i32
    %c0_i32_2 = arith.constant 0 : i32
    %c0_i32_3 = arith.constant 0 : i32
    return %get3A_1, %c0_i32, %c0_i32_2 : i32, i32, i32
  }
  func.func @transform_5(%arg0: i32, %arg1: memref<1x23xi32, #tpu.memory_space<smem>>, %arg2: memref<1x23xi32, #tpu.memory_space<smem>>, %arg3: memref<1x23xi32, #tpu.memory_space<smem>>, %arg4: memref<1x23xi32, #tpu.memory_space<smem>>) -> (i32, i32) {
    %c0_i32 = arith.constant 0 : i32
    %c0_i32_0 = arith.constant 0 : i32
    %c0_i32_1 = arith.constant 0 : i32
    return %c0_i32, %c0_i32_0 : i32, i32
  }
}

module attributes {stable_mosaic.version = 14 : i64} {
  func.func @_router_body(%arg0: i32, %arg1: memref<2048x768xf32, #tpu.memory_space<vmem>>, %arg2: memref<768x2xf32, #tpu.memory_space<vmem>>, %arg3: memref<768x8xf32, #tpu.memory_space<vmem>>, %arg4: memref<2048x2xi32, #tpu.memory_space<vmem>>, %arg5: memref<2048x2xf32, #tpu.memory_space<vmem>>, %arg6: memref<1x23xi32, #tpu.memory_space<vmem>>, %arg7: memref<1x23xi32, #tpu.memory_space<vmem>>, %arg8: memref<1x23xi32, #tpu.memory_space<vmem>>, %arg9: memref<1x23xi32, #tpu.memory_space<vmem>>) attributes {dimension_semantics = [#tpu.dimension_semantics<arbitrary>], iteration_bounds = array<i64: 1>, scalar_prefetch = 0 : i64, scratch_operands = 0 : i64, tpu.core_type = #tpu.core_type<tc>, window_params = [{pipeline_mode = #tpu.pipeline_mode<synchronous>, transform_indices = @transform_0, window_bounds = array<i64: 2048, 768>}, {pipeline_mode = #tpu.pipeline_mode<synchronous>, transform_indices = @transform_1, window_bounds = array<i64: 768, 2>}, {pipeline_mode = #tpu.pipeline_mode<synchronous>, transform_indices = @transform_2, window_bounds = array<i64: 768, 8>}, {pipeline_mode = #tpu.pipeline_mode<synchronous>, transform_indices = @transform_3, window_bounds = array<i64: 2048, 2>}, {pipeline_mode = #tpu.pipeline_mode<synchronous>, transform_indices = @transform_4, window_bounds = array<i64: 2048, 2>}, {pipeline_mode = #tpu.pipeline_mode<synchronous>, transform_indices = @transform_5, window_bounds = array<i64: 1, 23>}, {pipeline_mode = #tpu.pipeline_mode<synchronous>, transform_indices = @transform_6, window_bounds = array<i64: 1, 23>}, {pipeline_mode = #tpu.pipeline_mode<synchronous>, transform_indices = @transform_7, window_bounds = array<i64: 1, 23>}, {pipeline_mode = #tpu.pipeline_mode<synchronous>, transform_indices = @transform_8, window_bounds = array<i64: 1, 23>}]} {
    %get3A = arith.constant 0 : index
    %get3A_0 = arith.constant 0 : index
    %get3A_1 = vector.load %arg1[%get3A, %get3A_0] : memref<2048x768xf32, #tpu.memory_space<vmem>>, vector<2048x768xf32>
    %get3A_2 = arith.constant 0 : index
    %get3A_3 = arith.constant 0 : index
    %get3A_4 = vector.load %arg2[%get3A_2, %get3A_3] : memref<768x2xf32, #tpu.memory_space<vmem>>, vector<768x2xf32>
    %dot_general3A = arith.constant dense<0.000000e+00> : vector<2048x2xf32>
    %dot_general3A_5 = tpu.matmul %get3A_1, %get3A_4, %dot_general3A {dimension_numbers = #tpu.dot_dimension_numbers<[1], [0], [0], [1], [0, 0, 1, 1], [], []>, transpose_lhs_hint = false} : vector<2048x768xf32>, vector<768x2xf32>, vector<2048x2xf32> -> vector<2048x2xf32>
    %get3A_6 = arith.constant 0 : index
    %get3A_7 = arith.constant 0 : index
    %get3A_8 = vector.load %arg3[%get3A_6, %get3A_7] : memref<768x8xf32, #tpu.memory_space<vmem>>, vector<768x8xf32>
    %dot_general3A_9 = arith.constant dense<0.000000e+00> : vector<2048x8xf32>
    %dot_general3A_10 = tpu.matmul %get3A_1, %get3A_8, %dot_general3A_9 {dimension_numbers = #tpu.dot_dimension_numbers<[1], [0], [0], [1], [0, 0, 1, 1], [], []>, transpose_lhs_hint = false} : vector<2048x768xf32>, vector<768x8xf32>, vector<2048x8xf32> -> vector<2048x8xf32>
    %reduce_max3A = arith.constant dense<0xFF800000> : vector<2048xf32>
    %reduce_max3A_11 = vector.multi_reduction <maximumf>, %dot_general3A_5, %reduce_max3A [1] : vector<2048x2xf32> to vector<2048xf32>
    %broadcast_in_dim3A = vector.shape_cast %reduce_max3A_11 : vector<2048xf32> to vector<2048x1xf32>
    %sub3A = vector.broadcast %broadcast_in_dim3A : vector<2048x1xf32> to vector<2048x2xf32>
    %sub3A_12 = arith.subf %dot_general3A_5, %sub3A : vector<2048x2xf32>
    %exp3A = math.exp %sub3A_12 : vector<2048x2xf32>
    %reduce_sum3A = arith.constant dense<0.000000e+00> : vector<2048xf32>
    %reduce_sum3A_13 = vector.multi_reduction <add>, %exp3A, %reduce_sum3A [1] : vector<2048x2xf32> to vector<2048xf32>
    %broadcast_in_dim3A_14 = vector.shape_cast %reduce_sum3A_13 : vector<2048xf32> to vector<2048x1xf32>
    %div3A = vector.broadcast %broadcast_in_dim3A_14 : vector<2048x1xf32> to vector<2048x2xf32>
    %div3A_15 = arith.divf %exp3A, %div3A : vector<2048x2xf32>
    %slice3A = vector.extract_strided_slice %dot_general3A_10 {offsets = [0, 0], sizes = [2048, 4], strides = [1, 1]} : vector<2048x8xf32> to vector<2048x4xf32>
    %reduce_max3A_16 = arith.constant dense<0xFF800000> : vector<2048xf32>
    %reduce_max3A_17 = vector.multi_reduction <maximumf>, %slice3A, %reduce_max3A_16 [1] : vector<2048x4xf32> to vector<2048xf32>
    %broadcast_in_dim3A_18 = vector.shape_cast %reduce_max3A_17 : vector<2048xf32> to vector<2048x1xf32>
    %sub3A_19 = vector.broadcast %broadcast_in_dim3A_18 : vector<2048x1xf32> to vector<2048x4xf32>
    %sub3A_20 = arith.subf %slice3A, %sub3A_19 : vector<2048x4xf32>
    %exp3A_21 = math.exp %sub3A_20 : vector<2048x4xf32>
    %slice3A_22 = vector.extract_strided_slice %div3A_15 {offsets = [0, 0], sizes = [2048, 1], strides = [1, 1]} : vector<2048x2xf32> to vector<2048x1xf32>
    %reduce_sum3A_23 = arith.constant dense<0.000000e+00> : vector<2048xf32>
    %reduce_sum3A_24 = vector.multi_reduction <add>, %exp3A_21, %reduce_sum3A_23 [1] : vector<2048x4xf32> to vector<2048xf32>
    %broadcast_in_dim3A_25 = vector.shape_cast %reduce_sum3A_24 : vector<2048xf32> to vector<2048x1xf32>
    %div3A_26 = vector.broadcast %broadcast_in_dim3A_25 : vector<2048x1xf32> to vector<2048x4xf32>
    %div3A_27 = arith.divf %exp3A_21, %div3A_26 : vector<2048x4xf32>
    %mul3A = vector.broadcast %slice3A_22 : vector<2048x1xf32> to vector<2048x4xf32>
    %mul3A_28 = arith.mulf %mul3A, %div3A_27 : vector<2048x4xf32>
    %slice3A_29 = vector.extract_strided_slice %dot_general3A_10 {offsets = [0, 4], sizes = [2048, 4], strides = [1, 1]} : vector<2048x8xf32> to vector<2048x4xf32>
    %reduce_max3A_30 = arith.constant dense<0xFF800000> : vector<2048xf32>
    %reduce_max3A_31 = vector.multi_reduction <maximumf>, %slice3A_29, %reduce_max3A_30 [1] : vector<2048x4xf32> to vector<2048xf32>
    %broadcast_in_dim3A_32 = vector.shape_cast %reduce_max3A_31 : vector<2048xf32> to vector<2048x1xf32>
    %sub3A_33 = vector.broadcast %broadcast_in_dim3A_32 : vector<2048x1xf32> to vector<2048x4xf32>
    %sub3A_34 = arith.subf %slice3A_29, %sub3A_33 : vector<2048x4xf32>
    %exp3A_35 = math.exp %sub3A_34 : vector<2048x4xf32>
    %slice3A_36 = vector.extract_strided_slice %div3A_15 {offsets = [0, 1], sizes = [2048, 1], strides = [1, 1]} : vector<2048x2xf32> to vector<2048x1xf32>
    %reduce_sum3A_37 = arith.constant dense<0.000000e+00> : vector<2048xf32>
    %reduce_sum3A_38 = vector.multi_reduction <add>, %exp3A_35, %reduce_sum3A_37 [1] : vector<2048x4xf32> to vector<2048xf32>
    %broadcast_in_dim3A_39 = vector.shape_cast %reduce_sum3A_38 : vector<2048xf32> to vector<2048x1xf32>
    %div3A_40 = vector.broadcast %broadcast_in_dim3A_39 : vector<2048x1xf32> to vector<2048x4xf32>
    %div3A_41 = arith.divf %exp3A_35, %div3A_40 : vector<2048x4xf32>
    %mul3A_42 = vector.broadcast %slice3A_36 : vector<2048x1xf32> to vector<2048x4xf32>
    %mul3A_43 = arith.mulf %mul3A_42, %div3A_41 : vector<2048x4xf32>
    %concatenate3A = tpu.concatenate %mul3A_28, %mul3A_43 in 1 : vector<2048x4xf32>, vector<2048x4xf32> -> vector<2048x8xf32>
    %iota3A = tpu.iota {dimensions = array<i32: 1>} : vector<2048x8xi32>
    %reduce_max3A_44 = arith.constant dense<0xFF800000> : vector<2048xf32>
    %reduce_max3A_45 = vector.multi_reduction <maximumf>, %concatenate3A, %reduce_max3A_44 [1] : vector<2048x8xf32> to vector<2048xf32>
    %broadcast_in_dim3A_46 = vector.shape_cast %reduce_max3A_45 : vector<2048xf32> to vector<2048x1xf32>
    %argmax3A = tpu.reduce_index %concatenate3A {axis = 1 : i32, kind = #tpu.reduction_kind<arg_max>} : vector<2048x8xf32> -> vector<2048xi32>
    %broadcast_in_dim3A_47 = vector.shape_cast %argmax3A : vector<2048xi32> to vector<2048x1xi32>
    %eq3A = vector.broadcast %broadcast_in_dim3A_47 : vector<2048x1xi32> to vector<2048x8xi32>
    %eq3A_48 = arith.cmpi eq, %iota3A, %eq3A : vector<2048x8xi32>
    %jit3A = arith.constant 0xFF800000 : f32
    %broadcast_in_dim3A_49 = vector.broadcast %jit3A : f32 to vector<2048x8xf32>
    %select_n3A = arith.select %eq3A_48, %broadcast_in_dim3A_49, %concatenate3A : vector<2048x8xi1>, vector<2048x8xf32>
    %reduce_max3A_50 = arith.constant dense<0xFF800000> : vector<2048xf32>
    %reduce_max3A_51 = vector.multi_reduction <maximumf>, %select_n3A, %reduce_max3A_50 [1] : vector<2048x8xf32> to vector<2048xf32>
    %broadcast_in_dim3A_52 = vector.shape_cast %reduce_max3A_51 : vector<2048xf32> to vector<2048x1xf32>
    %argmax3A_53 = tpu.reduce_index %select_n3A {axis = 1 : i32, kind = #tpu.reduction_kind<arg_max>} : vector<2048x8xf32> -> vector<2048xi32>
    %broadcast_in_dim3A_54 = vector.shape_cast %argmax3A_53 : vector<2048xi32> to vector<2048x1xi32>
    %eq3A_55 = vector.broadcast %broadcast_in_dim3A_54 : vector<2048x1xi32> to vector<2048x8xi32>
    %eq3A_56 = arith.cmpi eq, %iota3A, %eq3A_55 : vector<2048x8xi32>
    %convert_element_type3A = arith.extui %eq3A_48 : vector<2048x8xi1> to vector<2048x8xi32>
    %convert_element_type3A_57 = arith.sitofp %convert_element_type3A : vector<2048x8xi32> to vector<2048x8xf32>
    %convert_element_type3A_58 = arith.extui %eq3A_56 : vector<2048x8xi1> to vector<2048x8xi32>
    %convert_element_type3A_59 = arith.sitofp %convert_element_type3A_58 : vector<2048x8xi32> to vector<2048x8xf32>
    %add3A = arith.addf %broadcast_in_dim3A_46, %broadcast_in_dim3A_52 : vector<2048x1xf32>
    %add3A_60 = arith.constant 9.99999971E-10 : f32
    %add3A_61 = vector.broadcast %add3A_60 : f32 to vector<2048x1xf32>
    %add3A_62 = arith.addf %add3A, %add3A_61 : vector<2048x1xf32>
    %div3A_63 = arith.divf %broadcast_in_dim3A_46, %add3A_62 : vector<2048x1xf32>
    %swap3A = arith.constant 0 : index
    %swap3A_64 = arith.constant 0 : index
    %swap3A_65 = vector.load %arg5[%swap3A, %swap3A_64] : memref<2048x2xf32, #tpu.memory_space<vmem>>, vector<2048x1xf32>
    tpu.vector_store %arg5[%swap3A, %swap3A_64], %div3A_63 {strides = array<i32>} : memref<2048x2xf32, #tpu.memory_space<vmem>>, vector<2048x1xf32>,
    %div3A_66 = arith.divf %broadcast_in_dim3A_52, %add3A_62 : vector<2048x1xf32>
    %swap3A_67 = arith.constant 0 : index
    %swap3A_68 = arith.constant 1 : index
    %swap3A_69 = vector.load %arg5[%swap3A_67, %swap3A_68] : memref<2048x2xf32, #tpu.memory_space<vmem>>, vector<2048x1xf32>
    tpu.vector_store %arg5[%swap3A_67, %swap3A_68], %div3A_66 {strides = array<i32>} : memref<2048x2xf32, #tpu.memory_space<vmem>>, vector<2048x1xf32>,
    %iota3A_70 = tpu.iota {dimensions = array<i32: 0>} : vector<128x128xi32>
    %iota3A_71 = tpu.iota {dimensions = array<i32: 1>} : vector<128x128xi32>
    %lt3A = arith.cmpi slt, %iota3A_71, %iota3A_70 : vector<128x128xi32>
    %convert_element_type3A_72 = arith.extui %lt3A : vector<128x128xi1> to vector<128x128xi32>
    %convert_element_type3A_73 = arith.sitofp %convert_element_type3A_72 : vector<128x128xi32> to vector<128x128xf32>
    %slice3A_74 = vector.extract_strided_slice %convert_element_type3A_57 {offsets = [0, 0], sizes = [128, 8], strides = [1, 1]} : vector<2048x8xf32> to vector<128x8xf32>
    %dot_general3A_75 = arith.constant dense<0.000000e+00> : vector<128x8xf32>
    %dot_general3A_76 = tpu.matmul %convert_element_type3A_73, %slice3A_74, %dot_general3A_75 {dimension_numbers = #tpu.dot_dimension_numbers<[1], [0], [0], [1], [0, 0, 1, 1], [], []>, transpose_lhs_hint = false} : vector<128x128xf32>, vector<128x8xf32>, vector<128x8xf32> -> vector<128x8xf32>
    %reduce_sum3A_77 = arith.constant dense<0.000000e+00> : vector<8xf32>
    %reduce_sum3A_78 = vector.multi_reduction <add>, %slice3A_74, %reduce_sum3A_77 [0] : vector<128x8xf32> to vector<8xf32>
    %broadcast_in_dim3A_79 = vector.shape_cast %reduce_sum3A_78 : vector<8xf32> to vector<1x8xf32>
    %slice3A_80 = vector.extract_strided_slice %convert_element_type3A_57 {offsets = [128, 0], sizes = [128, 8], strides = [1, 1]} : vector<2048x8xf32> to vector<128x8xf32>
    %dot_general3A_81 = arith.constant dense<0.000000e+00> : vector<128x8xf32>
    %dot_general3A_82 = tpu.matmul %convert_element_type3A_73, %slice3A_80, %dot_general3A_81 {dimension_numbers = #tpu.dot_dimension_numbers<[1], [0], [0], [1], [0, 0, 1, 1], [], []>, transpose_lhs_hint = false} : vector<128x128xf32>, vector<128x8xf32>, vector<128x8xf32> -> vector<128x8xf32>
    %reduce_sum3A_83 = arith.constant dense<0.000000e+00> : vector<8xf32>
    %reduce_sum3A_84 = vector.multi_reduction <add>, %slice3A_80, %reduce_sum3A_83 [0] : vector<128x8xf32> to vector<8xf32>
    %broadcast_in_dim3A_85 = vector.shape_cast %reduce_sum3A_84 : vector<8xf32> to vector<1x8xf32>
    %slice3A_86 = vector.extract_strided_slice %convert_element_type3A_57 {offsets = [256, 0], sizes = [128, 8], strides = [1, 1]} : vector<2048x8xf32> to vector<128x8xf32>
    %dot_general3A_87 = arith.constant dense<0.000000e+00> : vector<128x8xf32>
    %dot_general3A_88 = tpu.matmul %convert_element_type3A_73, %slice3A_86, %dot_general3A_87 {dimension_numbers = #tpu.dot_dimension_numbers<[1], [0], [0], [1], [0, 0, 1, 1], [], []>, transpose_lhs_hint = false} : vector<128x128xf32>, vector<128x8xf32>, vector<128x8xf32> -> vector<128x8xf32>
    %reduce_sum3A_89 = arith.constant dense<0.000000e+00> : vector<8xf32>
    %reduce_sum3A_90 = vector.multi_reduction <add>, %slice3A_86, %reduce_sum3A_89 [0] : vector<128x8xf32> to vector<8xf32>
    %broadcast_in_dim3A_91 = vector.shape_cast %reduce_sum3A_90 : vector<8xf32> to vector<1x8xf32>
    %slice3A_92 = vector.extract_strided_slice %convert_element_type3A_57 {offsets = [384, 0], sizes = [128, 8], strides = [1, 1]} : vector<2048x8xf32> to vector<128x8xf32>
    %dot_general3A_93 = arith.constant dense<0.000000e+00> : vector<128x8xf32>
    %dot_general3A_94 = tpu.matmul %convert_element_type3A_73, %slice3A_92, %dot_general3A_93 {dimension_numbers = #tpu.dot_dimension_numbers<[1], [0], [0], [1], [0, 0, 1, 1], [], []>, transpose_lhs_hint = false} : vector<128x128xf32>, vector<128x8xf32>, vector<128x8xf32> -> vector<128x8xf32>
    %reduce_sum3A_95 = arith.constant dense<0.000000e+00> : vector<8xf32>
    %reduce_sum3A_96 = vector.multi_reduction <add>, %slice3A_92, %reduce_sum3A_95 [0] : vector<128x8xf32> to vector<8xf32>
    %broadcast_in_dim3A_97 = vector.shape_cast %reduce_sum3A_96 : vector<8xf32> to vector<1x8xf32>
    %slice3A_98 = vector.extract_strided_slice %convert_element_type3A_57 {offsets = [512, 0], sizes = [128, 8], strides = [1, 1]} : vector<2048x8xf32> to vector<128x8xf32>
    %dot_general3A_99 = arith.constant dense<0.000000e+00> : vector<128x8xf32>
    %dot_general3A_100 = tpu.matmul %convert_element_type3A_73, %slice3A_98, %dot_general3A_99 {dimension_numbers = #tpu.dot_dimension_numbers<[1], [0], [0], [1], [0, 0, 1, 1], [], []>, transpose_lhs_hint = false} : vector<128x128xf32>, vector<128x8xf32>, vector<128x8xf32> -> vector<128x8xf32>
    %reduce_sum3A_101 = arith.constant dense<0.000000e+00> : vector<8xf32>
    %reduce_sum3A_102 = vector.multi_reduction <add>, %slice3A_98, %reduce_sum3A_101 [0] : vector<128x8xf32> to vector<8xf32>
    %broadcast_in_dim3A_103 = vector.shape_cast %reduce_sum3A_102 : vector<8xf32> to vector<1x8xf32>
    %slice3A_104 = vector.extract_strided_slice %convert_element_type3A_57 {offsets = [640, 0], sizes = [128, 8], strides = [1, 1]} : vector<2048x8xf32> to vector<128x8xf32>
    %dot_general3A_105 = arith.constant dense<0.000000e+00> : vector<128x8xf32>
    %dot_general3A_106 = tpu.matmul %convert_element_type3A_73, %slice3A_104, %dot_general3A_105 {dimension_numbers = #tpu.dot_dimension_numbers<[1], [0], [0], [1], [0, 0, 1, 1], [], []>, transpose_lhs_hint = false} : vector<128x128xf32>, vector<128x8xf32>, vector<128x8xf32> -> vector<128x8xf32>
    %reduce_sum3A_107 = arith.constant dense<0.000000e+00> : vector<8xf32>
    %reduce_sum3A_108 = vector.multi_reduction <add>, %slice3A_104, %reduce_sum3A_107 [0] : vector<128x8xf32> to vector<8xf32>
    %broadcast_in_dim3A_109 = vector.shape_cast %reduce_sum3A_108 : vector<8xf32> to vector<1x8xf32>
    %slice3A_110 = vector.extract_strided_slice %convert_element_type3A_57 {offsets = [768, 0], sizes = [128, 8], strides = [1, 1]} : vector<2048x8xf32> to vector<128x8xf32>
    %dot_general3A_111 = arith.constant dense<0.000000e+00> : vector<128x8xf32>
    %dot_general3A_112 = tpu.matmul %convert_element_type3A_73, %slice3A_110, %dot_general3A_111 {dimension_numbers = #tpu.dot_dimension_numbers<[1], [0], [0], [1], [0, 0, 1, 1], [], []>, transpose_lhs_hint = false} : vector<128x128xf32>, vector<128x8xf32>, vector<128x8xf32> -> vector<128x8xf32>
    %reduce_sum3A_113 = arith.constant dense<0.000000e+00> : vector<8xf32>
    %reduce_sum3A_114 = vector.multi_reduction <add>, %slice3A_110, %reduce_sum3A_113 [0] : vector<128x8xf32> to vector<8xf32>
    %broadcast_in_dim3A_115 = vector.shape_cast %reduce_sum3A_114 : vector<8xf32> to vector<1x8xf32>
    %slice3A_116 = vector.extract_strided_slice %convert_element_type3A_57 {offsets = [896, 0], sizes = [128, 8], strides = [1, 1]} : vector<2048x8xf32> to vector<128x8xf32>
    %dot_general3A_117 = arith.constant dense<0.000000e+00> : vector<128x8xf32>
    %dot_general3A_118 = tpu.matmul %convert_element_type3A_73, %slice3A_116, %dot_general3A_117 {dimension_numbers = #tpu.dot_dimension_numbers<[1], [0], [0], [1], [0, 0, 1, 1], [], []>, transpose_lhs_hint = false} : vector<128x128xf32>, vector<128x8xf32>, vector<128x8xf32> -> vector<128x8xf32>
    %reduce_sum3A_119 = arith.constant dense<0.000000e+00> : vector<8xf32>
    %reduce_sum3A_120 = vector.multi_reduction <add>, %slice3A_116, %reduce_sum3A_119 [0] : vector<128x8xf32> to vector<8xf32>
    %broadcast_in_dim3A_121 = vector.shape_cast %reduce_sum3A_120 : vector<8xf32> to vector<1x8xf32>
    %slice3A_122 = vector.extract_strided_slice %convert_element_type3A_57 {offsets = [1024, 0], sizes = [128, 8], strides = [1, 1]} : vector<2048x8xf32> to vector<128x8xf32>
    %dot_general3A_123 = arith.constant dense<0.000000e+00> : vector<128x8xf32>
    %dot_general3A_124 = tpu.matmul %convert_element_type3A_73, %slice3A_122, %dot_general3A_123 {dimension_numbers = #tpu.dot_dimension_numbers<[1], [0], [0], [1], [0, 0, 1, 1], [], []>, transpose_lhs_hint = false} : vector<128x128xf32>, vector<128x8xf32>, vector<128x8xf32> -> vector<128x8xf32>
    %reduce_sum3A_125 = arith.constant dense<0.000000e+00> : vector<8xf32>
    %reduce_sum3A_126 = vector.multi_reduction <add>, %slice3A_122, %reduce_sum3A_125 [0] : vector<128x8xf32> to vector<8xf32>
    %broadcast_in_dim3A_127 = vector.shape_cast %reduce_sum3A_126 : vector<8xf32> to vector<1x8xf32>
    %slice3A_128 = vector.extract_strided_slice %convert_element_type3A_57 {offsets = [1152, 0], sizes = [128, 8], strides = [1, 1]} : vector<2048x8xf32> to vector<128x8xf32>
    %dot_general3A_129 = arith.constant dense<0.000000e+00> : vector<128x8xf32>
    %dot_general3A_130 = tpu.matmul %convert_element_type3A_73, %slice3A_128, %dot_general3A_129 {dimension_numbers = #tpu.dot_dimension_numbers<[1], [0], [0], [1], [0, 0, 1, 1], [], []>, transpose_lhs_hint = false} : vector<128x128xf32>, vector<128x8xf32>, vector<128x8xf32> -> vector<128x8xf32>
    %reduce_sum3A_131 = arith.constant dense<0.000000e+00> : vector<8xf32>
    %reduce_sum3A_132 = vector.multi_reduction <add>, %slice3A_128, %reduce_sum3A_131 [0] : vector<128x8xf32> to vector<8xf32>
    %broadcast_in_dim3A_133 = vector.shape_cast %reduce_sum3A_132 : vector<8xf32> to vector<1x8xf32>
    %slice3A_134 = vector.extract_strided_slice %convert_element_type3A_57 {offsets = [1280, 0], sizes = [128, 8], strides = [1, 1]} : vector<2048x8xf32> to vector<128x8xf32>
    %dot_general3A_135 = arith.constant dense<0.000000e+00> : vector<128x8xf32>
    %dot_general3A_136 = tpu.matmul %convert_element_type3A_73, %slice3A_134, %dot_general3A_135 {dimension_numbers = #tpu.dot_dimension_numbers<[1], [0], [0], [1], [0, 0, 1, 1], [], []>, transpose_lhs_hint = false} : vector<128x128xf32>, vector<128x8xf32>, vector<128x8xf32> -> vector<128x8xf32>
    %reduce_sum3A_137 = arith.constant dense<0.000000e+00> : vector<8xf32>
    %reduce_sum3A_138 = vector.multi_reduction <add>, %slice3A_134, %reduce_sum3A_137 [0] : vector<128x8xf32> to vector<8xf32>
    %broadcast_in_dim3A_139 = vector.shape_cast %reduce_sum3A_138 : vector<8xf32> to vector<1x8xf32>
    %slice3A_140 = vector.extract_strided_slice %convert_element_type3A_57 {offsets = [1408, 0], sizes = [128, 8], strides = [1, 1]} : vector<2048x8xf32> to vector<128x8xf32>
    %dot_general3A_141 = arith.constant dense<0.000000e+00> : vector<128x8xf32>
    %dot_general3A_142 = tpu.matmul %convert_element_type3A_73, %slice3A_140, %dot_general3A_141 {dimension_numbers = #tpu.dot_dimension_numbers<[1], [0], [0], [1], [0, 0, 1, 1], [], []>, transpose_lhs_hint = false} : vector<128x128xf32>, vector<128x8xf32>, vector<128x8xf32> -> vector<128x8xf32>
    %reduce_sum3A_143 = arith.constant dense<0.000000e+00> : vector<8xf32>
    %reduce_sum3A_144 = vector.multi_reduction <add>, %slice3A_140, %reduce_sum3A_143 [0] : vector<128x8xf32> to vector<8xf32>
    %broadcast_in_dim3A_145 = vector.shape_cast %reduce_sum3A_144 : vector<8xf32> to vector<1x8xf32>
    %slice3A_146 = vector.extract_strided_slice %convert_element_type3A_57 {offsets = [1536, 0], sizes = [128, 8], strides = [1, 1]} : vector<2048x8xf32> to vector<128x8xf32>
    %dot_general3A_147 = arith.constant dense<0.000000e+00> : vector<128x8xf32>
    %dot_general3A_148 = tpu.matmul %convert_element_type3A_73, %slice3A_146, %dot_general3A_147 {dimension_numbers = #tpu.dot_dimension_numbers<[1], [0], [0], [1], [0, 0, 1, 1], [], []>, transpose_lhs_hint = false} : vector<128x128xf32>, vector<128x8xf32>, vector<128x8xf32> -> vector<128x8xf32>
    %reduce_sum3A_149 = arith.constant dense<0.000000e+00> : vector<8xf32>
    %reduce_sum3A_150 = vector.multi_reduction <add>, %slice3A_146, %reduce_sum3A_149 [0] : vector<128x8xf32> to vector<8xf32>
    %broadcast_in_dim3A_151 = vector.shape_cast %reduce_sum3A_150 : vector<8xf32> to vector<1x8xf32>
    %slice3A_152 = vector.extract_strided_slice %convert_element_type3A_57 {offsets = [1664, 0], sizes = [128, 8], strides = [1, 1]} : vector<2048x8xf32> to vector<128x8xf32>
    %dot_general3A_153 = arith.constant dense<0.000000e+00> : vector<128x8xf32>
    %dot_general3A_154 = tpu.matmul %convert_element_type3A_73, %slice3A_152, %dot_general3A_153 {dimension_numbers = #tpu.dot_dimension_numbers<[1], [0], [0], [1], [0, 0, 1, 1], [], []>, transpose_lhs_hint = false} : vector<128x128xf32>, vector<128x8xf32>, vector<128x8xf32> -> vector<128x8xf32>
    %reduce_sum3A_155 = arith.constant dense<0.000000e+00> : vector<8xf32>
    %reduce_sum3A_156 = vector.multi_reduction <add>, %slice3A_152, %reduce_sum3A_155 [0] : vector<128x8xf32> to vector<8xf32>
    %broadcast_in_dim3A_157 = vector.shape_cast %reduce_sum3A_156 : vector<8xf32> to vector<1x8xf32>
    %slice3A_158 = vector.extract_strided_slice %convert_element_type3A_57 {offsets = [1792, 0], sizes = [128, 8], strides = [1, 1]} : vector<2048x8xf32> to vector<128x8xf32>
    %dot_general3A_159 = arith.constant dense<0.000000e+00> : vector<128x8xf32>
    %dot_general3A_160 = tpu.matmul %convert_element_type3A_73, %slice3A_158, %dot_general3A_159 {dimension_numbers = #tpu.dot_dimension_numbers<[1], [0], [0], [1], [0, 0, 1, 1], [], []>, transpose_lhs_hint = false} : vector<128x128xf32>, vector<128x8xf32>, vector<128x8xf32> -> vector<128x8xf32>
    %reduce_sum3A_161 = arith.constant dense<0.000000e+00> : vector<8xf32>
    %reduce_sum3A_162 = vector.multi_reduction <add>, %slice3A_158, %reduce_sum3A_161 [0] : vector<128x8xf32> to vector<8xf32>
    %broadcast_in_dim3A_163 = vector.shape_cast %reduce_sum3A_162 : vector<8xf32> to vector<1x8xf32>
    %slice3A_164 = vector.extract_strided_slice %convert_element_type3A_57 {offsets = [1920, 0], sizes = [128, 8], strides = [1, 1]} : vector<2048x8xf32> to vector<128x8xf32>
    %dot_general3A_165 = arith.constant dense<0.000000e+00> : vector<128x8xf32>
    %dot_general3A_166 = tpu.matmul %convert_element_type3A_73, %slice3A_164, %dot_general3A_165 {dimension_numbers = #tpu.dot_dimension_numbers<[1], [0], [0], [1], [0, 0, 1, 1], [], []>, transpose_lhs_hint = false} : vector<128x128xf32>, vector<128x8xf32>, vector<128x8xf32> -> vector<128x8xf32>
    %reduce_sum3A_167 = arith.constant dense<0.000000e+00> : vector<8xf32>
    %reduce_sum3A_168 = vector.multi_reduction <add>, %slice3A_164, %reduce_sum3A_167 [0] : vector<128x8xf32> to vector<8xf32>
    %broadcast_in_dim3A_169 = vector.shape_cast %reduce_sum3A_168 : vector<8xf32> to vector<1x8xf32>
    %slice3A_170 = vector.extract_strided_slice %convert_element_type3A_59 {offsets = [0, 0], sizes = [128, 8], strides = [1, 1]} : vector<2048x8xf32> to vector<128x8xf32>
    %dot_general3A_171 = arith.constant dense<0.000000e+00> : vector<128x8xf32>
    %dot_general3A_172 = tpu.matmul %convert_element_type3A_73, %slice3A_170, %dot_general3A_171 {dimension_numbers = #tpu.dot_dimension_numbers<[1], [0], [0], [1], [0, 0, 1, 1], [], []>, transpose_lhs_hint = false} : vector<128x128xf32>, vector<128x8xf32>, vector<128x8xf32> -> vector<128x8xf32>
    %reduce_sum3A_173 = arith.constant dense<0.000000e+00> : vector<8xf32>
    %reduce_sum3A_174 = vector.multi_reduction <add>, %slice3A_170, %reduce_sum3A_173 [0] : vector<128x8xf32> to vector<8xf32>
    %broadcast_in_dim3A_175 = vector.shape_cast %reduce_sum3A_174 : vector<8xf32> to vector<1x8xf32>
    %slice3A_176 = vector.extract_strided_slice %convert_element_type3A_59 {offsets = [128, 0], sizes = [128, 8], strides = [1, 1]} : vector<2048x8xf32> to vector<128x8xf32>
    %dot_general3A_177 = arith.constant dense<0.000000e+00> : vector<128x8xf32>
    %dot_general3A_178 = tpu.matmul %convert_element_type3A_73, %slice3A_176, %dot_general3A_177 {dimension_numbers = #tpu.dot_dimension_numbers<[1], [0], [0], [1], [0, 0, 1, 1], [], []>, transpose_lhs_hint = false} : vector<128x128xf32>, vector<128x8xf32>, vector<128x8xf32> -> vector<128x8xf32>
    %reduce_sum3A_179 = arith.constant dense<0.000000e+00> : vector<8xf32>
    %reduce_sum3A_180 = vector.multi_reduction <add>, %slice3A_176, %reduce_sum3A_179 [0] : vector<128x8xf32> to vector<8xf32>
    %broadcast_in_dim3A_181 = vector.shape_cast %reduce_sum3A_180 : vector<8xf32> to vector<1x8xf32>
    %slice3A_182 = vector.extract_strided_slice %convert_element_type3A_59 {offsets = [256, 0], sizes = [128, 8], strides = [1, 1]} : vector<2048x8xf32> to vector<128x8xf32>
    %dot_general3A_183 = arith.constant dense<0.000000e+00> : vector<128x8xf32>
    %dot_general3A_184 = tpu.matmul %convert_element_type3A_73, %slice3A_182, %dot_general3A_183 {dimension_numbers = #tpu.dot_dimension_numbers<[1], [0], [0], [1], [0, 0, 1, 1], [], []>, transpose_lhs_hint = false} : vector<128x128xf32>, vector<128x8xf32>, vector<128x8xf32> -> vector<128x8xf32>
    %reduce_sum3A_185 = arith.constant dense<0.000000e+00> : vector<8xf32>
    %reduce_sum3A_186 = vector.multi_reduction <add>, %slice3A_182, %reduce_sum3A_185 [0] : vector<128x8xf32> to vector<8xf32>
    %broadcast_in_dim3A_187 = vector.shape_cast %reduce_sum3A_186 : vector<8xf32> to vector<1x8xf32>
    %slice3A_188 = vector.extract_strided_slice %convert_element_type3A_59 {offsets = [384, 0], sizes = [128, 8], strides = [1, 1]} : vector<2048x8xf32> to vector<128x8xf32>
    %dot_general3A_189 = arith.constant dense<0.000000e+00> : vector<128x8xf32>
    %dot_general3A_190 = tpu.matmul %convert_element_type3A_73, %slice3A_188, %dot_general3A_189 {dimension_numbers = #tpu.dot_dimension_numbers<[1], [0], [0], [1], [0, 0, 1, 1], [], []>, transpose_lhs_hint = false} : vector<128x128xf32>, vector<128x8xf32>, vector<128x8xf32> -> vector<128x8xf32>
    %reduce_sum3A_191 = arith.constant dense<0.000000e+00> : vector<8xf32>
    %reduce_sum3A_192 = vector.multi_reduction <add>, %slice3A_188, %reduce_sum3A_191 [0] : vector<128x8xf32> to vector<8xf32>
    %broadcast_in_dim3A_193 = vector.shape_cast %reduce_sum3A_192 : vector<8xf32> to vector<1x8xf32>
    %slice3A_194 = vector.extract_strided_slice %convert_element_type3A_59 {offsets = [512, 0], sizes = [128, 8], strides = [1, 1]} : vector<2048x8xf32> to vector<128x8xf32>
    %dot_general3A_195 = arith.constant dense<0.000000e+00> : vector<128x8xf32>
    %dot_general3A_196 = tpu.matmul %convert_element_type3A_73, %slice3A_194, %dot_general3A_195 {dimension_numbers = #tpu.dot_dimension_numbers<[1], [0], [0], [1], [0, 0, 1, 1], [], []>, transpose_lhs_hint = false} : vector<128x128xf32>, vector<128x8xf32>, vector<128x8xf32> -> vector<128x8xf32>
    %reduce_sum3A_197 = arith.constant dense<0.000000e+00> : vector<8xf32>
    %reduce_sum3A_198 = vector.multi_reduction <add>, %slice3A_194, %reduce_sum3A_197 [0] : vector<128x8xf32> to vector<8xf32>
    %broadcast_in_dim3A_199 = vector.shape_cast %reduce_sum3A_198 : vector<8xf32> to vector<1x8xf32>
    %slice3A_200 = vector.extract_strided_slice %convert_element_type3A_59 {offsets = [640, 0], sizes = [128, 8], strides = [1, 1]} : vector<2048x8xf32> to vector<128x8xf32>
    %dot_general3A_201 = arith.constant dense<0.000000e+00> : vector<128x8xf32>
    %dot_general3A_202 = tpu.matmul %convert_element_type3A_73, %slice3A_200, %dot_general3A_201 {dimension_numbers = #tpu.dot_dimension_numbers<[1], [0], [0], [1], [0, 0, 1, 1], [], []>, transpose_lhs_hint = false} : vector<128x128xf32>, vector<128x8xf32>, vector<128x8xf32> -> vector<128x8xf32>
    %reduce_sum3A_203 = arith.constant dense<0.000000e+00> : vector<8xf32>
    %reduce_sum3A_204 = vector.multi_reduction <add>, %slice3A_200, %reduce_sum3A_203 [0] : vector<128x8xf32> to vector<8xf32>
    %broadcast_in_dim3A_205 = vector.shape_cast %reduce_sum3A_204 : vector<8xf32> to vector<1x8xf32>
    %slice3A_206 = vector.extract_strided_slice %convert_element_type3A_59 {offsets = [768, 0], sizes = [128, 8], strides = [1, 1]} : vector<2048x8xf32> to vector<128x8xf32>
    %dot_general3A_207 = arith.constant dense<0.000000e+00> : vector<128x8xf32>
    %dot_general3A_208 = tpu.matmul %convert_element_type3A_73, %slice3A_206, %dot_general3A_207 {dimension_numbers = #tpu.dot_dimension_numbers<[1], [0], [0], [1], [0, 0, 1, 1], [], []>, transpose_lhs_hint = false} : vector<128x128xf32>, vector<128x8xf32>, vector<128x8xf32> -> vector<128x8xf32>
    %reduce_sum3A_209 = arith.constant dense<0.000000e+00> : vector<8xf32>
    %reduce_sum3A_210 = vector.multi_reduction <add>, %slice3A_206, %reduce_sum3A_209 [0] : vector<128x8xf32> to vector<8xf32>
    %broadcast_in_dim3A_211 = vector.shape_cast %reduce_sum3A_210 : vector<8xf32> to vector<1x8xf32>
    %slice3A_212 = vector.extract_strided_slice %convert_element_type3A_59 {offsets = [896, 0], sizes = [128, 8], strides = [1, 1]} : vector<2048x8xf32> to vector<128x8xf32>
    %dot_general3A_213 = arith.constant dense<0.000000e+00> : vector<128x8xf32>
    %dot_general3A_214 = tpu.matmul %convert_element_type3A_73, %slice3A_212, %dot_general3A_213 {dimension_numbers = #tpu.dot_dimension_numbers<[1], [0], [0], [1], [0, 0, 1, 1], [], []>, transpose_lhs_hint = false} : vector<128x128xf32>, vector<128x8xf32>, vector<128x8xf32> -> vector<128x8xf32>
    %reduce_sum3A_215 = arith.constant dense<0.000000e+00> : vector<8xf32>
    %reduce_sum3A_216 = vector.multi_reduction <add>, %slice3A_212, %reduce_sum3A_215 [0] : vector<128x8xf32> to vector<8xf32>
    %broadcast_in_dim3A_217 = vector.shape_cast %reduce_sum3A_216 : vector<8xf32> to vector<1x8xf32>
    %slice3A_218 = vector.extract_strided_slice %convert_element_type3A_59 {offsets = [1024, 0], sizes = [128, 8], strides = [1, 1]} : vector<2048x8xf32> to vector<128x8xf32>
    %dot_general3A_219 = arith.constant dense<0.000000e+00> : vector<128x8xf32>
    %dot_general3A_220 = tpu.matmul %convert_element_type3A_73, %slice3A_218, %dot_general3A_219 {dimension_numbers = #tpu.dot_dimension_numbers<[1], [0], [0], [1], [0, 0, 1, 1], [], []>, transpose_lhs_hint = false} : vector<128x128xf32>, vector<128x8xf32>, vector<128x8xf32> -> vector<128x8xf32>
    %reduce_sum3A_221 = arith.constant dense<0.000000e+00> : vector<8xf32>
    %reduce_sum3A_222 = vector.multi_reduction <add>, %slice3A_218, %reduce_sum3A_221 [0] : vector<128x8xf32> to vector<8xf32>
    %broadcast_in_dim3A_223 = vector.shape_cast %reduce_sum3A_222 : vector<8xf32> to vector<1x8xf32>
    %slice3A_224 = vector.extract_strided_slice %convert_element_type3A_59 {offsets = [1152, 0], sizes = [128, 8], strides = [1, 1]} : vector<2048x8xf32> to vector<128x8xf32>
    %dot_general3A_225 = arith.constant dense<0.000000e+00> : vector<128x8xf32>
    %dot_general3A_226 = tpu.matmul %convert_element_type3A_73, %slice3A_224, %dot_general3A_225 {dimension_numbers = #tpu.dot_dimension_numbers<[1], [0], [0], [1], [0, 0, 1, 1], [], []>, transpose_lhs_hint = false} : vector<128x128xf32>, vector<128x8xf32>, vector<128x8xf32> -> vector<128x8xf32>
    %reduce_sum3A_227 = arith.constant dense<0.000000e+00> : vector<8xf32>
    %reduce_sum3A_228 = vector.multi_reduction <add>, %slice3A_224, %reduce_sum3A_227 [0] : vector<128x8xf32> to vector<8xf32>
    %broadcast_in_dim3A_229 = vector.shape_cast %reduce_sum3A_228 : vector<8xf32> to vector<1x8xf32>
    %slice3A_230 = vector.extract_strided_slice %convert_element_type3A_59 {offsets = [1280, 0], sizes = [128, 8], strides = [1, 1]} : vector<2048x8xf32> to vector<128x8xf32>
    %dot_general3A_231 = arith.constant dense<0.000000e+00> : vector<128x8xf32>
    %dot_general3A_232 = tpu.matmul %convert_element_type3A_73, %slice3A_230, %dot_general3A_231 {dimension_numbers = #tpu.dot_dimension_numbers<[1], [0], [0], [1], [0, 0, 1, 1], [], []>, transpose_lhs_hint = false} : vector<128x128xf32>, vector<128x8xf32>, vector<128x8xf32> -> vector<128x8xf32>
    %reduce_sum3A_233 = arith.constant dense<0.000000e+00> : vector<8xf32>
    %reduce_sum3A_234 = vector.multi_reduction <add>, %slice3A_230, %reduce_sum3A_233 [0] : vector<128x8xf32> to vector<8xf32>
    %broadcast_in_dim3A_235 = vector.shape_cast %reduce_sum3A_234 : vector<8xf32> to vector<1x8xf32>
    %slice3A_236 = vector.extract_strided_slice %convert_element_type3A_59 {offsets = [1408, 0], sizes = [128, 8], strides = [1, 1]} : vector<2048x8xf32> to vector<128x8xf32>
    %dot_general3A_237 = arith.constant dense<0.000000e+00> : vector<128x8xf32>
    %dot_general3A_238 = tpu.matmul %convert_element_type3A_73, %slice3A_236, %dot_general3A_237 {dimension_numbers = #tpu.dot_dimension_numbers<[1], [0], [0], [1], [0, 0, 1, 1], [], []>, transpose_lhs_hint = false} : vector<128x128xf32>, vector<128x8xf32>, vector<128x8xf32> -> vector<128x8xf32>
    %reduce_sum3A_239 = arith.constant dense<0.000000e+00> : vector<8xf32>
    %reduce_sum3A_240 = vector.multi_reduction <add>, %slice3A_236, %reduce_sum3A_239 [0] : vector<128x8xf32> to vector<8xf32>
    %broadcast_in_dim3A_241 = vector.shape_cast %reduce_sum3A_240 : vector<8xf32> to vector<1x8xf32>
    %slice3A_242 = vector.extract_strided_slice %convert_element_type3A_59 {offsets = [1536, 0], sizes = [128, 8], strides = [1, 1]} : vector<2048x8xf32> to vector<128x8xf32>
    %dot_general3A_243 = arith.constant dense<0.000000e+00> : vector<128x8xf32>
    %dot_general3A_244 = tpu.matmul %convert_element_type3A_73, %slice3A_242, %dot_general3A_243 {dimension_numbers = #tpu.dot_dimension_numbers<[1], [0], [0], [1], [0, 0, 1, 1], [], []>, transpose_lhs_hint = false} : vector<128x128xf32>, vector<128x8xf32>, vector<128x8xf32> -> vector<128x8xf32>
    %reduce_sum3A_245 = arith.constant dense<0.000000e+00> : vector<8xf32>
    %reduce_sum3A_246 = vector.multi_reduction <add>, %slice3A_242, %reduce_sum3A_245 [0] : vector<128x8xf32> to vector<8xf32>
    %broadcast_in_dim3A_247 = vector.shape_cast %reduce_sum3A_246 : vector<8xf32> to vector<1x8xf32>
    %slice3A_248 = vector.extract_strided_slice %convert_element_type3A_59 {offsets = [1664, 0], sizes = [128, 8], strides = [1, 1]} : vector<2048x8xf32> to vector<128x8xf32>
    %dot_general3A_249 = arith.constant dense<0.000000e+00> : vector<128x8xf32>
    %dot_general3A_250 = tpu.matmul %convert_element_type3A_73, %slice3A_248, %dot_general3A_249 {dimension_numbers = #tpu.dot_dimension_numbers<[1], [0], [0], [1], [0, 0, 1, 1], [], []>, transpose_lhs_hint = false} : vector<128x128xf32>, vector<128x8xf32>, vector<128x8xf32> -> vector<128x8xf32>
    %reduce_sum3A_251 = arith.constant dense<0.000000e+00> : vector<8xf32>
    %reduce_sum3A_252 = vector.multi_reduction <add>, %slice3A_248, %reduce_sum3A_251 [0] : vector<128x8xf32> to vector<8xf32>
    %broadcast_in_dim3A_253 = vector.shape_cast %reduce_sum3A_252 : vector<8xf32> to vector<1x8xf32>
    %slice3A_254 = vector.extract_strided_slice %convert_element_type3A_59 {offsets = [1792, 0], sizes = [128, 8], strides = [1, 1]} : vector<2048x8xf32> to vector<128x8xf32>
    %dot_general3A_255 = arith.constant dense<0.000000e+00> : vector<128x8xf32>
    %dot_general3A_256 = tpu.matmul %convert_element_type3A_73, %slice3A_254, %dot_general3A_255 {dimension_numbers = #tpu.dot_dimension_numbers<[1], [0], [0], [1], [0, 0, 1, 1], [], []>, transpose_lhs_hint = false} : vector<128x128xf32>, vector<128x8xf32>, vector<128x8xf32> -> vector<128x8xf32>
    %reduce_sum3A_257 = arith.constant dense<0.000000e+00> : vector<8xf32>
    %reduce_sum3A_258 = vector.multi_reduction <add>, %slice3A_254, %reduce_sum3A_257 [0] : vector<128x8xf32> to vector<8xf32>
    %broadcast_in_dim3A_259 = vector.shape_cast %reduce_sum3A_258 : vector<8xf32> to vector<1x8xf32>
    %slice3A_260 = vector.extract_strided_slice %convert_element_type3A_59 {offsets = [1920, 0], sizes = [128, 8], strides = [1, 1]} : vector<2048x8xf32> to vector<128x8xf32>
    %dot_general3A_261 = arith.constant dense<0.000000e+00> : vector<128x8xf32>
    %dot_general3A_262 = tpu.matmul %convert_element_type3A_73, %slice3A_260, %dot_general3A_261 {dimension_numbers = #tpu.dot_dimension_numbers<[1], [0], [0], [1], [0, 0, 1, 1], [], []>, transpose_lhs_hint = false} : vector<128x128xf32>, vector<128x8xf32>, vector<128x8xf32> -> vector<128x8xf32>
    %reduce_sum3A_263 = arith.constant dense<0.000000e+00> : vector<8xf32>
    %reduce_sum3A_264 = vector.multi_reduction <add>, %slice3A_260, %reduce_sum3A_263 [0] : vector<128x8xf32> to vector<8xf32>
    %broadcast_in_dim3A_265 = vector.shape_cast %reduce_sum3A_264 : vector<8xf32> to vector<1x8xf32>
    %concatenate3A_266 = tpu.concatenate %broadcast_in_dim3A_79, %broadcast_in_dim3A_85, %broadcast_in_dim3A_91, %broadcast_in_dim3A_97, %broadcast_in_dim3A_103, %broadcast_in_dim3A_109, %broadcast_in_dim3A_115, %broadcast_in_dim3A_121, %broadcast_in_dim3A_127, %broadcast_in_dim3A_133, %broadcast_in_dim3A_139, %broadcast_in_dim3A_145, %broadcast_in_dim3A_151, %broadcast_in_dim3A_157, %broadcast_in_dim3A_163, %broadcast_in_dim3A_169, %broadcast_in_dim3A_175, %broadcast_in_dim3A_181, %broadcast_in_dim3A_187, %broadcast_in_dim3A_193, %broadcast_in_dim3A_199, %broadcast_in_dim3A_205, %broadcast_in_dim3A_211, %broadcast_in_dim3A_217, %broadcast_in_dim3A_223, %broadcast_in_dim3A_229, %broadcast_in_dim3A_235, %broadcast_in_dim3A_241, %broadcast_in_dim3A_247, %broadcast_in_dim3A_253, %broadcast_in_dim3A_259, %broadcast_in_dim3A_265 in 0 : vector<1x8xf32>, vector<1x8xf32>, vector<1x8xf32>, vector<1x8xf32>, vector<1x8xf32>, vector<1x8xf32>, vector<1x8xf32>, vector<1x8xf32>, vector<1x8xf32>, vector<1x8xf32>, vector<1x8xf32>, vector<1x8xf32>, vector<1x8xf32>, vector<1x8xf32>, vector<1x8xf32>, vector<1x8xf32>, vector<1x8xf32>, vector<1x8xf32>, vector<1x8xf32>, vector<1x8xf32>, vector<1x8xf32>, vector<1x8xf32>, vector<1x8xf32>, vector<1x8xf32>, vector<1x8xf32>, vector<1x8xf32>, vector<1x8xf32>, vector<1x8xf32>, vector<1x8xf32>, vector<1x8xf32>, vector<1x8xf32>, vector<1x8xf32> -> vector<32x8xf32>
    %iota3A_267 = tpu.iota {dimensions = array<i32: 0>} : vector<32x32xi32>
    %iota3A_268 = tpu.iota {dimensions = array<i32: 1>} : vector<32x32xi32>
    %lt3A_269 = arith.cmpi slt, %iota3A_268, %iota3A_267 : vector<32x32xi32>
    %convert_element_type3A_270 = arith.extui %lt3A_269 : vector<32x32xi1> to vector<32x32xi32>
    %convert_element_type3A_271 = arith.sitofp %convert_element_type3A_270 : vector<32x32xi32> to vector<32x32xf32>
    %dot_general3A_272 = arith.constant dense<0.000000e+00> : vector<32x8xf32>
    %dot_general3A_273 = tpu.matmul %convert_element_type3A_271, %concatenate3A_266, %dot_general3A_272 {dimension_numbers = #tpu.dot_dimension_numbers<[1], [0], [0], [1], [0, 0, 1, 1], [], []>, transpose_lhs_hint = false} : vector<32x32xf32>, vector<32x8xf32>, vector<32x8xf32> -> vector<32x8xf32>
    %reduce_sum3A_274 = arith.constant dense<0.000000e+00> : vector<8xf32>
    %reduce_sum3A_275 = vector.multi_reduction <add>, %concatenate3A_266, %reduce_sum3A_274 [0] : vector<32x8xf32> to vector<8xf32>
    %broadcast_in_dim3A_276 = vector.shape_cast %reduce_sum3A_275 : vector<8xf32> to vector<1x8xf32>
    %iota3A_277 = tpu.iota {dimensions = array<i32: 0>} : vector<8x8xi32>
    %iota3A_278 = tpu.iota {dimensions = array<i32: 1>} : vector<8x8xi32>
    %lt3A_279 = arith.cmpi slt, %iota3A_277, %iota3A_278 : vector<8x8xi32>
    %convert_element_type3A_280 = arith.extui %lt3A_279 : vector<8x8xi1> to vector<8x8xi32>
    %convert_element_type3A_281 = arith.sitofp %convert_element_type3A_280 : vector<8x8xi32> to vector<8x8xf32>
    %dot_general3A_282 = arith.constant dense<0.000000e+00> : vector<1x8xf32>
    %dot_general3A_283 = tpu.matmul %broadcast_in_dim3A_276, %convert_element_type3A_281, %dot_general3A_282 {dimension_numbers = #tpu.dot_dimension_numbers<[1], [0], [0], [1], [0, 0, 1, 1], [], []>, precision = #tpu.contract_precision<fp32>, transpose_lhs_hint = false} : vector<1x8xf32>, vector<8x8xf32>, vector<1x8xf32> -> vector<1x8xf32>
    %concatenate3A_284 = tpu.concatenate %dot_general3A_76, %dot_general3A_82, %dot_general3A_88, %dot_general3A_94, %dot_general3A_100, %dot_general3A_106, %dot_general3A_112, %dot_general3A_118, %dot_general3A_124, %dot_general3A_130, %dot_general3A_136, %dot_general3A_142, %dot_general3A_148, %dot_general3A_154, %dot_general3A_160, %dot_general3A_166 in 0 : vector<128x8xf32>, vector<128x8xf32>, vector<128x8xf32>, vector<128x8xf32>, vector<128x8xf32>, vector<128x8xf32>, vector<128x8xf32>, vector<128x8xf32>, vector<128x8xf32>, vector<128x8xf32>, vector<128x8xf32>, vector<128x8xf32>, vector<128x8xf32>, vector<128x8xf32>, vector<128x8xf32>, vector<128x8xf32> -> vector<2048x8xf32>
    %slice3A_285 = vector.extract_strided_slice %dot_general3A_273 {offsets = [0, 0], sizes = [16, 8], strides = [1, 1]} : vector<32x8xf32> to vector<16x8xf32>
    %broadcast_in_dim3A_286 = vector.shape_cast %slice3A_285 : vector<16x8xf32> to vector<16x1x8xf32>
    %broadcast_in_dim3A_287 = vector.shape_cast %broadcast_in_dim3A_286 : vector<16x1x8xf32> to vector<16x1x8xf32>
    %broadcast_in_dim3A_288 = vector.broadcast %broadcast_in_dim3A_287 : vector<16x1x8xf32> to vector<16x128x8xf32>
    %reshape3A = vector.shape_cast %broadcast_in_dim3A_288 : vector<16x128x8xf32> to vector<2048x8xf32>
    %add3A_289 = vector.broadcast %dot_general3A_283 : vector<1x8xf32> to vector<2048x8xf32>
    %add3A_290 = arith.addf %add3A_289, %reshape3A : vector<2048x8xf32>
    %add3A_291 = arith.addf %add3A_290, %concatenate3A_284 : vector<2048x8xf32>
    %mul3A_292 = arith.mulf %convert_element_type3A_57, %add3A_291 : vector<2048x8xf32>
    %reduce_sum3A_293 = arith.constant dense<0.000000e+00> : vector<2048xf32>
    %reduce_sum3A_294 = vector.multi_reduction <add>, %mul3A_292, %reduce_sum3A_293 [1] : vector<2048x8xf32> to vector<2048xf32>
    %broadcast_in_dim3A_295 = vector.shape_cast %reduce_sum3A_294 : vector<2048xf32> to vector<2048x1xf32>
    %convert_element_type3A_296 = arith.fptosi %broadcast_in_dim3A_295 : vector<2048x1xf32> to vector<2048x1xi32>
    %swap3A_297 = arith.constant 0 : index
    %swap3A_298 = arith.constant 0 : index
    %swap3A_299 = vector.load %arg4[%swap3A_297, %swap3A_298] : memref<2048x2xi32, #tpu.memory_space<vmem>>, vector<2048x1xi32>
    tpu.vector_store %arg4[%swap3A_297, %swap3A_298], %convert_element_type3A_296 {strides = array<i32>} : memref<2048x2xi32, #tpu.memory_space<vmem>>, vector<2048x1xi32>,
    %concatenate3A_300 = tpu.concatenate %dot_general3A_172, %dot_general3A_178, %dot_general3A_184, %dot_general3A_190, %dot_general3A_196, %dot_general3A_202, %dot_general3A_208, %dot_general3A_214, %dot_general3A_220, %dot_general3A_226, %dot_general3A_232, %dot_general3A_238, %dot_general3A_244, %dot_general3A_250, %dot_general3A_256, %dot_general3A_262 in 0 : vector<128x8xf32>, vector<128x8xf32>, vector<128x8xf32>, vector<128x8xf32>, vector<128x8xf32>, vector<128x8xf32>, vector<128x8xf32>, vector<128x8xf32>, vector<128x8xf32>, vector<128x8xf32>, vector<128x8xf32>, vector<128x8xf32>, vector<128x8xf32>, vector<128x8xf32>, vector<128x8xf32>, vector<128x8xf32> -> vector<2048x8xf32>
    %slice3A_301 = vector.extract_strided_slice %dot_general3A_273 {offsets = [16, 0], sizes = [16, 8], strides = [1, 1]} : vector<32x8xf32> to vector<16x8xf32>
    %broadcast_in_dim3A_302 = vector.shape_cast %slice3A_301 : vector<16x8xf32> to vector<16x1x8xf32>
    %broadcast_in_dim3A_303 = vector.shape_cast %broadcast_in_dim3A_302 : vector<16x1x8xf32> to vector<16x1x8xf32>
    %broadcast_in_dim3A_304 = vector.broadcast %broadcast_in_dim3A_303 : vector<16x1x8xf32> to vector<16x128x8xf32>
    %reshape3A_305 = vector.shape_cast %broadcast_in_dim3A_304 : vector<16x128x8xf32> to vector<2048x8xf32>
    %add3A_306 = vector.broadcast %dot_general3A_283 : vector<1x8xf32> to vector<2048x8xf32>
    %add3A_307 = arith.addf %add3A_306, %reshape3A_305 : vector<2048x8xf32>
    %add3A_308 = arith.addf %add3A_307, %concatenate3A_300 : vector<2048x8xf32>
    %mul3A_309 = arith.mulf %convert_element_type3A_59, %add3A_308 : vector<2048x8xf32>
    %reduce_sum3A_310 = arith.constant dense<0.000000e+00> : vector<2048xf32>
    %reduce_sum3A_311 = vector.multi_reduction <add>, %mul3A_309, %reduce_sum3A_310 [1] : vector<2048x8xf32> to vector<2048xf32>
    %broadcast_in_dim3A_312 = vector.shape_cast %reduce_sum3A_311 : vector<2048xf32> to vector<2048x1xf32>
    %convert_element_type3A_313 = arith.fptosi %broadcast_in_dim3A_312 : vector<2048x1xf32> to vector<2048x1xi32>
    %swap3A_314 = arith.constant 0 : index
    %swap3A_315 = arith.constant 1 : index
    %swap3A_316 = vector.load %arg4[%swap3A_314, %swap3A_315] : memref<2048x2xi32, #tpu.memory_space<vmem>>, vector<2048x1xi32>
    tpu.vector_store %arg4[%swap3A_314, %swap3A_315], %convert_element_type3A_313 {strides = array<i32>} : memref<2048x2xi32, #tpu.memory_space<vmem>>, vector<2048x1xi32>,
    %add3A_317 = arith.addf %dot_general3A_283, %broadcast_in_dim3A_276 : vector<1x8xf32>
    %iota3A_318 = tpu.iota {dimensions = array<i32: 0>} : vector<128x1xi32>
    %jit3A_319 = arith.constant 16 : i32
    %div3A_320 = vector.broadcast %jit3A_319 : i32 to vector<128x1xi32>
    %div3A_321 = arith.divsi %iota3A_318, %div3A_320 : vector<128x1xi32>
    %sign3A = arith.constant 0 : i32
    %sign3A_322 = vector.broadcast %sign3A : i32 to vector<128x1xi32>
    %sign3A_323 = arith.cmpi sgt, %iota3A_318, %sign3A_322 : vector<128x1xi32>
    %sign3A_324 = arith.extui %sign3A_323 : vector<128x1xi1> to vector<128x1xi32>
    %sign3A_325 = arith.constant 0 : i32
    %sign3A_326 = vector.broadcast %sign3A_325 : i32 to vector<128x1xi32>
    %sign3A_327 = arith.cmpi slt, %iota3A_318, %sign3A_326 : vector<128x1xi32>
    %sign3A_328 = arith.extui %sign3A_327 : vector<128x1xi1> to vector<128x1xi32>
    %sign3A_329 = arith.subi %sign3A_324, %sign3A_328 : vector<128x1xi32>
    %sign3A_330 = arith.constant 0 : i32
    %sign3A_331 = arith.cmpi sgt, %jit3A_319, %sign3A_330 : i32
    %sign3A_332 = arith.extui %sign3A_331 : i1 to i32
    %sign3A_333 = arith.constant 0 : i32
    %sign3A_334 = arith.cmpi slt, %jit3A_319, %sign3A_333 : i32
    %sign3A_335 = arith.extui %sign3A_334 : i1 to i32
    %sign3A_336 = arith.subi %sign3A_332, %sign3A_335 : i32
    %ne3A = vector.broadcast %sign3A_336 : i32 to vector<128x1xi32>
    %ne3A_337 = arith.cmpi ne, %sign3A_329, %ne3A : vector<128x1xi32>
    %rem3A = vector.broadcast %jit3A_319 : i32 to vector<128x1xi32>
    %rem3A_338 = arith.remsi %iota3A_318, %rem3A : vector<128x1xi32>
    %ne3A_339 = arith.constant 0 : i32
    %ne3A_340 = vector.broadcast %ne3A_339 : i32 to vector<128x1xi32>
    %ne3A_341 = arith.cmpi ne, %rem3A_338, %ne3A_340 : vector<128x1xi32>
    %and3A = arith.andi %ne3A_337, %ne3A_341 : vector<128x1xi1>
    %sub3A_342 = arith.constant 1 : i32
    %sub3A_343 = vector.broadcast %sub3A_342 : i32 to vector<128x1xi32>
    %sub3A_344 = arith.subi %div3A_321, %sub3A_343 : vector<128x1xi32>
    %select_n3A_345 = arith.select %and3A, %sub3A_344, %div3A_321 : vector<128x1xi1>, vector<128x1xi32>
    %jit3A_346 = arith.constant 16 : i32
    %eq3A_347 = arith.constant 0 : i32
    %eq3A_348 = arith.cmpi eq, %jit3A_346, %eq3A_347 : i32
    %jit3A_349 = arith.constant 1 : i32
    %select_n3A_350 = arith.select %eq3A_348, %jit3A_349, %jit3A_346 : i32
    %rem3A_351 = vector.broadcast %select_n3A_350 : i32 to vector<128x1xi32>
    %rem3A_352 = arith.remsi %iota3A_318, %rem3A_351 : vector<128x1xi32>
    %ne3A_353 = arith.constant 0 : i32
    %ne3A_354 = vector.broadcast %ne3A_353 : i32 to vector<128x1xi32>
    %ne3A_355 = arith.cmpi ne, %rem3A_352, %ne3A_354 : vector<128x1xi32>
    %lt3A_356 = arith.constant 0 : i32
    %lt3A_357 = vector.broadcast %lt3A_356 : i32 to vector<128x1xi32>
    %lt3A_358 = arith.cmpi slt, %rem3A_352, %lt3A_357 : vector<128x1xi32>
    %lt3A_359 = arith.constant 0 : i32
    %lt3A_360 = arith.cmpi slt, %select_n3A_350, %lt3A_359 : i32
    %ne3A_361 = vector.broadcast %lt3A_360 : i1 to vector<128x1xi1>
    %ne3A_362 = vector.broadcast %ne3A_361 : vector<128x1xi1> to vector<128x1xi1>
    %ne3A_363 = arith.xori %lt3A_358, %ne3A_362 : vector<128x1xi1>
    %and3A_364 = arith.andi %ne3A_363, %ne3A_355 : vector<128x1xi1>
    %add3A_365 = vector.broadcast %select_n3A_350 : i32 to vector<128x1xi32>
    %add3A_366 = arith.addi %rem3A_352, %add3A_365 : vector<128x1xi32>
    %select_n3A_367 = arith.select %and3A_364, %add3A_366, %rem3A_352 : vector<128x1xi1>, vector<128x1xi32>
    %convert_element_type3A_368 = arith.sitofp %select_n3A_367 : vector<128x1xi32> to vector<128x1xf32>
    %iota3A_369 = tpu.iota {dimensions = array<i32: 1>} : vector<128x8xi32>
    %broadcast_in_dim3A_370 = vector.shape_cast %select_n3A_345 : vector<128x1xi32> to vector<128x1xi32>
    %broadcast_in_dim3A_371 = vector.broadcast %broadcast_in_dim3A_370 : vector<128x1xi32> to vector<128x8xi32>
    %eq3A_372 = arith.cmpi eq, %broadcast_in_dim3A_371, %iota3A_369 : vector<128x8xi32>
    %convert_element_type3A_373 = arith.extui %eq3A_372 : vector<128x8xi1> to vector<128x8xi32>
    %convert_element_type3A_374 = arith.sitofp %convert_element_type3A_373 : vector<128x8xi32> to vector<128x8xf32>
    %transpose3A = tpu.transpose %dot_general3A_283, [1, 0] : vector<1x8xf32> -> vector<8x1xf32>
    %dot_general3A_375 = arith.constant dense<0.000000e+00> : vector<128x1xf32>
    %dot_general3A_376 = tpu.matmul %convert_element_type3A_374, %transpose3A, %dot_general3A_375 {dimension_numbers = #tpu.dot_dimension_numbers<[1], [0], [0], [1], [0, 0, 1, 1], [], []>, precision = #tpu.contract_precision<fp32>, transpose_lhs_hint = false} : vector<128x8xf32>, vector<8x1xf32>, vector<128x1xf32> -> vector<128x1xf32>
    %transpose3A_377 = tpu.transpose %add3A_317, [1, 0] : vector<1x8xf32> -> vector<8x1xf32>
    %dot_general3A_378 = arith.constant dense<0.000000e+00> : vector<128x1xf32>
    %dot_general3A_379 = tpu.matmul %convert_element_type3A_374, %transpose3A_377, %dot_general3A_378 {dimension_numbers = #tpu.dot_dimension_numbers<[1], [0], [0], [1], [0, 0, 1, 1], [], []>, precision = #tpu.contract_precision<fp32>, transpose_lhs_hint = false} : vector<128x8xf32>, vector<8x1xf32>, vector<128x1xf32> -> vector<128x1xf32>
    %add3A_380 = arith.constant 1.000000e+00 : f32
    %add3A_381 = vector.broadcast %add3A_380 : f32 to vector<128x1xf32>
    %add3A_382 = arith.addf %convert_element_type3A_368, %add3A_381 : vector<128x1xf32>
    %mul3A_383 = arith.constant 2.560000e+02 : f32
    %mul3A_384 = vector.broadcast %mul3A_383 : f32 to vector<128x1xf32>
    %mul3A_385 = arith.mulf %add3A_382, %mul3A_384 : vector<128x1xf32>
    %lt3A_386 = arith.cmpf olt, %dot_general3A_376, %mul3A_385 : vector<128x1xf32>
    %mul3A_387 = arith.constant 2.560000e+02 : f32
    %mul3A_388 = vector.broadcast %mul3A_387 : f32 to vector<128x1xf32>
    %mul3A_389 = arith.mulf %convert_element_type3A_368, %mul3A_388 : vector<128x1xf32>
    %gt3A = arith.cmpf ogt, %dot_general3A_379, %mul3A_389 : vector<128x1xf32>
    %and3A_390 = arith.andi %lt3A_386, %gt3A : vector<128x1xi1>
    %convert_element_type3A_391 = arith.extui %and3A_390 : vector<128x1xi1> to vector<128x1xi32>
    %convert_element_type3A_392 = arith.sitofp %convert_element_type3A_391 : vector<128x1xi32> to vector<128x1xf32>
    %dot_general3A_393 = arith.constant dense<0.000000e+00> : vector<128x1xf32>
    %dot_general3A_394 = tpu.matmul %convert_element_type3A_73, %convert_element_type3A_392, %dot_general3A_393 {dimension_numbers = #tpu.dot_dimension_numbers<[1], [0], [0], [1], [0, 0, 1, 1], [], []>, transpose_lhs_hint = false} : vector<128x128xf32>, vector<128x1xf32>, vector<128x1xf32> -> vector<128x1xf32>
    %iota3A_395 = tpu.iota {dimensions = array<i32: 1>} : vector<128x23xi32>
    %convert_element_type3A_396 = arith.sitofp %iota3A_395 : vector<128x23xi32> to vector<128x23xf32>
    %broadcast_in_dim3A_397 = vector.shape_cast %dot_general3A_394 : vector<128x1xf32> to vector<128x1xf32>
    %broadcast_in_dim3A_398 = vector.broadcast %broadcast_in_dim3A_397 : vector<128x1xf32> to vector<128x23xf32>
    %eq3A_399 = arith.cmpf oeq, %broadcast_in_dim3A_398, %convert_element_type3A_396 : vector<128x23xf32>
    %convert_element_type3A_400 = arith.extui %eq3A_399 : vector<128x23xi1> to vector<128x23xi32>
    %convert_element_type3A_401 = arith.sitofp %convert_element_type3A_400 : vector<128x23xi32> to vector<128x23xf32>
    %broadcast_in_dim3A_402 = vector.shape_cast %convert_element_type3A_392 : vector<128x1xf32> to vector<128x1xf32>
    %broadcast_in_dim3A_403 = vector.broadcast %broadcast_in_dim3A_402 : vector<128x1xf32> to vector<128x23xf32>
    %mul3A_404 = arith.mulf %convert_element_type3A_401, %broadcast_in_dim3A_403 : vector<128x23xf32>
    %iota3A_405 = tpu.iota {dimensions = array<i32: 1>} : vector<1x128xi32>
    %jit3A_406 = arith.constant 16 : i32
    %eq3A_407 = arith.constant 0 : i32
    %eq3A_408 = arith.cmpi eq, %jit3A_406, %eq3A_407 : i32
    %jit3A_409 = arith.constant 1 : i32
    %select_n3A_410 = arith.select %eq3A_408, %jit3A_409, %jit3A_406 : i32
    %rem3A_411 = vector.broadcast %select_n3A_410 : i32 to vector<1x128xi32>
    %rem3A_412 = arith.remsi %iota3A_405, %rem3A_411 : vector<1x128xi32>
    %ne3A_413 = arith.constant 0 : i32
    %ne3A_414 = vector.broadcast %ne3A_413 : i32 to vector<1x128xi32>
    %ne3A_415 = arith.cmpi ne, %rem3A_412, %ne3A_414 : vector<1x128xi32>
    %lt3A_416 = arith.constant 0 : i32
    %lt3A_417 = vector.broadcast %lt3A_416 : i32 to vector<1x128xi32>
    %lt3A_418 = arith.cmpi slt, %rem3A_412, %lt3A_417 : vector<1x128xi32>
    %lt3A_419 = arith.constant 0 : i32
    %lt3A_420 = arith.cmpi slt, %select_n3A_410, %lt3A_419 : i32
    %ne3A_421 = vector.broadcast %lt3A_420 : i1 to vector<1x128xi1>
    %ne3A_422 = vector.broadcast %ne3A_421 : vector<1x128xi1> to vector<1x128xi1>
    %ne3A_423 = arith.xori %lt3A_418, %ne3A_422 : vector<1x128xi1>
    %and3A_424 = arith.andi %ne3A_423, %ne3A_415 : vector<1x128xi1>
    %add3A_425 = vector.broadcast %select_n3A_410 : i32 to vector<1x128xi32>
    %add3A_426 = arith.addi %rem3A_412, %add3A_425 : vector<1x128xi32>
    %select_n3A_427 = arith.select %and3A_424, %add3A_426, %rem3A_412 : vector<1x128xi1>, vector<1x128xi32>
    %convert_element_type3A_428 = arith.sitofp %select_n3A_427 : vector<1x128xi32> to vector<1x128xf32>
    %jit3A_429 = arith.constant 16 : i32
    %div3A_430 = vector.broadcast %jit3A_429 : i32 to vector<1x128xi32>
    %div3A_431 = arith.divsi %iota3A_405, %div3A_430 : vector<1x128xi32>
    %sign3A_432 = arith.constant 0 : i32
    %sign3A_433 = vector.broadcast %sign3A_432 : i32 to vector<1x128xi32>
    %sign3A_434 = arith.cmpi sgt, %iota3A_405, %sign3A_433 : vector<1x128xi32>
    %sign3A_435 = arith.extui %sign3A_434 : vector<1x128xi1> to vector<1x128xi32>
    %sign3A_436 = arith.constant 0 : i32
    %sign3A_437 = vector.broadcast %sign3A_436 : i32 to vector<1x128xi32>
    %sign3A_438 = arith.cmpi slt, %iota3A_405, %sign3A_437 : vector<1x128xi32>
    %sign3A_439 = arith.extui %sign3A_438 : vector<1x128xi1> to vector<1x128xi32>
    %sign3A_440 = arith.subi %sign3A_435, %sign3A_439 : vector<1x128xi32>
    %sign3A_441 = arith.constant 0 : i32
    %sign3A_442 = arith.cmpi sgt, %jit3A_429, %sign3A_441 : i32
    %sign3A_443 = arith.extui %sign3A_442 : i1 to i32
    %sign3A_444 = arith.constant 0 : i32
    %sign3A_445 = arith.cmpi slt, %jit3A_429, %sign3A_444 : i32
    %sign3A_446 = arith.extui %sign3A_445 : i1 to i32
    %sign3A_447 = arith.subi %sign3A_443, %sign3A_446 : i32
    %ne3A_448 = vector.broadcast %sign3A_447 : i32 to vector<1x128xi32>
    %ne3A_449 = arith.cmpi ne, %sign3A_440, %ne3A_448 : vector<1x128xi32>
    %rem3A_450 = vector.broadcast %jit3A_429 : i32 to vector<1x128xi32>
    %rem3A_451 = arith.remsi %iota3A_405, %rem3A_450 : vector<1x128xi32>
    %ne3A_452 = arith.constant 0 : i32
    %ne3A_453 = vector.broadcast %ne3A_452 : i32 to vector<1x128xi32>
    %ne3A_454 = arith.cmpi ne, %rem3A_451, %ne3A_453 : vector<1x128xi32>
    %and3A_455 = arith.andi %ne3A_449, %ne3A_454 : vector<1x128xi1>
    %sub3A_456 = arith.constant 1 : i32
    %sub3A_457 = vector.broadcast %sub3A_456 : i32 to vector<1x128xi32>
    %sub3A_458 = arith.subi %div3A_431, %sub3A_457 : vector<1x128xi32>
    %select_n3A_459 = arith.select %and3A_455, %sub3A_458, %div3A_431 : vector<1x128xi1>, vector<1x128xi32>
    %convert_element_type3A_460 = arith.sitofp %select_n3A_459 : vector<1x128xi32> to vector<1x128xf32>
    %transpose3A_461 = tpu.transpose %dot_general3A_376, [1, 0] : vector<128x1xf32> -> vector<1x128xf32>
    %transpose3A_462 = tpu.transpose %dot_general3A_379, [1, 0] : vector<128x1xf32> -> vector<1x128xf32>
    %dot_general3A_463 = arith.constant dense<0.000000e+00> : vector<1x23xf32>
    %dot_general3A_464 = tpu.matmul %convert_element_type3A_428, %mul3A_404, %dot_general3A_463 {dimension_numbers = #tpu.dot_dimension_numbers<[1], [0], [0], [1], [0, 0, 1, 1], [], []>, precision = #tpu.contract_precision<fp32>, transpose_lhs_hint = false} : vector<1x128xf32>, vector<128x23xf32>, vector<1x23xf32> -> vector<1x23xf32>
    %convert_element_type3A_465 = arith.fptosi %dot_general3A_464 : vector<1x23xf32> to vector<1x23xi32>
    %swap3A_466 = arith.constant 0 : index
    %swap3A_467 = arith.constant 0 : index
    %swap3A_468 = vector.load %arg6[%swap3A_466, %swap3A_467] : memref<1x23xi32, #tpu.memory_space<vmem>>, vector<1x23xi32>
    tpu.vector_store %arg6[%swap3A_466, %swap3A_467], %convert_element_type3A_465 {strides = array<i32>} : memref<1x23xi32, #tpu.memory_space<vmem>>, vector<1x23xi32>,
    %dot_general3A_469 = arith.constant dense<0.000000e+00> : vector<1x23xf32>
    %dot_general3A_470 = tpu.matmul %convert_element_type3A_460, %mul3A_404, %dot_general3A_469 {dimension_numbers = #tpu.dot_dimension_numbers<[1], [0], [0], [1], [0, 0, 1, 1], [], []>, precision = #tpu.contract_precision<fp32>, transpose_lhs_hint = false} : vector<1x128xf32>, vector<128x23xf32>, vector<1x23xf32> -> vector<1x23xf32>
    %convert_element_type3A_471 = arith.fptosi %dot_general3A_470 : vector<1x23xf32> to vector<1x23xi32>
    %swap3A_472 = arith.constant 0 : index
    %swap3A_473 = arith.constant 0 : index
    %swap3A_474 = vector.load %arg7[%swap3A_472, %swap3A_473] : memref<1x23xi32, #tpu.memory_space<vmem>>, vector<1x23xi32>
    tpu.vector_store %arg7[%swap3A_472, %swap3A_473], %convert_element_type3A_471 {strides = array<i32>} : memref<1x23xi32, #tpu.memory_space<vmem>>, vector<1x23xi32>,
    %dot_general3A_475 = arith.constant dense<0.000000e+00> : vector<1x23xf32>
    %dot_general3A_476 = tpu.matmul %transpose3A_461, %mul3A_404, %dot_general3A_475 {dimension_numbers = #tpu.dot_dimension_numbers<[1], [0], [0], [1], [0, 0, 1, 1], [], []>, precision = #tpu.contract_precision<fp32>, transpose_lhs_hint = false} : vector<1x128xf32>, vector<128x23xf32>, vector<1x23xf32> -> vector<1x23xf32>
    %convert_element_type3A_477 = arith.fptosi %dot_general3A_476 : vector<1x23xf32> to vector<1x23xi32>
    %swap3A_478 = arith.constant 0 : index
    %swap3A_479 = arith.constant 0 : index
    %swap3A_480 = vector.load %arg8[%swap3A_478, %swap3A_479] : memref<1x23xi32, #tpu.memory_space<vmem>>, vector<1x23xi32>
    tpu.vector_store %arg8[%swap3A_478, %swap3A_479], %convert_element_type3A_477 {strides = array<i32>} : memref<1x23xi32, #tpu.memory_space<vmem>>, vector<1x23xi32>,
    %dot_general3A_481 = arith.constant dense<0.000000e+00> : vector<1x23xf32>
    %dot_general3A_482 = tpu.matmul %transpose3A_462, %mul3A_404, %dot_general3A_481 {dimension_numbers = #tpu.dot_dimension_numbers<[1], [0], [0], [1], [0, 0, 1, 1], [], []>, precision = #tpu.contract_precision<fp32>, transpose_lhs_hint = false} : vector<1x128xf32>, vector<128x23xf32>, vector<1x23xf32> -> vector<1x23xf32>
    %convert_element_type3A_483 = arith.fptosi %dot_general3A_482 : vector<1x23xf32> to vector<1x23xi32>
    %swap3A_484 = arith.constant 0 : index
    %swap3A_485 = arith.constant 0 : index
    %swap3A_486 = vector.load %arg9[%swap3A_484, %swap3A_485] : memref<1x23xi32, #tpu.memory_space<vmem>>, vector<1x23xi32>
    tpu.vector_store %arg9[%swap3A_484, %swap3A_485], %convert_element_type3A_483 {strides = array<i32>} : memref<1x23xi32, #tpu.memory_space<vmem>>, vector<1x23xi32>,
    return
  }
  func.func @transform_0(%arg0: i32) -> (i32, i32) {
    %c0_i32 = arith.constant 0 : i32
    %c0_i32_0 = arith.constant 0 : i32
    %c0_i32_1 = arith.constant 0 : i32
    return %c0_i32, %c0_i32_0 : i32, i32
  }
  func.func @transform_1(%arg0: i32) -> (i32, i32) {
    %c0_i32 = arith.constant 0 : i32
    %c0_i32_0 = arith.constant 0 : i32
    %c0_i32_1 = arith.constant 0 : i32
    return %c0_i32, %c0_i32_0 : i32, i32
  }
  func.func @transform_2(%arg0: i32) -> (i32, i32) {
    %c0_i32 = arith.constant 0 : i32
    %c0_i32_0 = arith.constant 0 : i32
    %c0_i32_1 = arith.constant 0 : i32
    return %c0_i32, %c0_i32_0 : i32, i32
  }
  func.func @transform_3(%arg0: i32) -> (i32, i32) {
    %c0_i32 = arith.constant 0 : i32
    %c0_i32_0 = arith.constant 0 : i32
    %c0_i32_1 = arith.constant 0 : i32
    return %c0_i32, %c0_i32_0 : i32, i32
  }
  func.func @transform_4(%arg0: i32) -> (i32, i32) {
    %c0_i32 = arith.constant 0 : i32
    %c0_i32_0 = arith.constant 0 : i32
    %c0_i32_1 = arith.constant 0 : i32
    return %c0_i32, %c0_i32_0 : i32, i32
  }
  func.func @transform_5(%arg0: i32) -> (i32, i32) {
    %c0_i32 = arith.constant 0 : i32
    %c0_i32_0 = arith.constant 0 : i32
    %c0_i32_1 = arith.constant 0 : i32
    return %c0_i32, %c0_i32_0 : i32, i32
  }
  func.func @transform_6(%arg0: i32) -> (i32, i32) {
    %c0_i32 = arith.constant 0 : i32
    %c0_i32_0 = arith.constant 0 : i32
    %c0_i32_1 = arith.constant 0 : i32
    return %c0_i32, %c0_i32_0 : i32, i32
  }
  func.func @transform_7(%arg0: i32) -> (i32, i32) {
    %c0_i32 = arith.constant 0 : i32
    %c0_i32_0 = arith.constant 0 : i32
    %c0_i32_1 = arith.constant 0 : i32
    return %c0_i32, %c0_i32_0 : i32, i32
  }
  func.func @transform_8(%arg0: i32) -> (i32, i32) {
    %c0_i32 = arith.constant 0 : i32
    %c0_i32_0 = arith.constant 0 : i32
    %c0_i32_1 = arith.constant 0 : i32
    return %c0_i32, %c0_i32_0 : i32, i32
  }
}

</mosaic_0001>

<sc_bundles>
// kernel: kernel.10.cloned.1.call-start
scs
__scs_entry_jumppad:
0x0: {  	(pc) =	sbr.rel $0x88, $3  }
0x1: {  	(tag) =	ssettag $0x0;
	lr =	simm.s32 $0x1  }
0x2: {  	[smem:$0x3F98] =	sst lr;
	_ =	strace $0xD0000000  }
0x3: {  	_ = 	snop  }
0x4: {  	_ = 	snop  }
0x5: {  	_ = 	snop  }
0x6: {  	_ = 	snop  }
0x7: {  	_ = 	snop  }
__scs_overlays_trampoline_lowered:
0x8: {  	[smem:$0x3FA7] =	sst s0  }
0x9: {  	[smem:$0x3FA8] =	sst s1  }
0xa: {  	[smem:$0x3FA9] =	sst s2  }
0xb: {  	[smem:$0x3FAA] =	sst s3  }
0xc: {  	[smem:$0x3FAB] =	sst s4  }
0xd: {  	[smem:$0x3FAC] =	sst s5  }
0xe: {  	[smem:$0x3FAD] =	sst s6  }
0xf: {  	[smem:$0x3FAE] =	sst s7  }
0x10: {  	[smem:$0x3FAF] =	sst s8  }
0x11: {  	[smem:$0x3FB0] =	sst s9;
	s0 =	simm.s32 @!p0 $0x0  }
0x12: {  	s1 =	sld [smem:$0x3F96];
	s0 =	simm.s32 @p0 $0x1  }
0x13: {  	[smem:$0x3FB1] =	sst s0;
	s0 =	simm.s32 @!p1 $0x0  }
0x14: {  	s2 =	sld [smem:$0x3F95];
	s0 =	simm.s32 @p1 $0x1  }
0x15: {  	[smem:$0x3FB2] =	sst s0;
	s0 =	simm.s32 @!p2 $0x0  }
0x16: {  	s3 =	sld [smem:$0x3FDB];
	s0 =	simm.s32 @p2 $0x1  }
0x17: {  	s4 =	simm.s32 $0x1BF5;
	[smem:$0x3FB4] =	sst s0  }
0x18: {  	s0 =	sld [smem:$0x3F97];
	_ =	swait.ge [sflag:s4], $0x0  }
0x19: {  	s7 =	sld [smem:$0x3F98]  }
0x1a: {  	s8 =	sadd.s32 $0xFFFFE003, lr  }
0x1b: {  	s9 =	sadd.s32 $0xFFFFFEF7, lr;
	s5 =	simm.s32 $0xFFFFFFFF;
	p2 =	slt.u32 s8, $0xFFFFF086  }
0x1c: {  	p1 =	slt.u32 s9, $0xF7A;
	s5 =	simm.s32 @!p2 $0x0  }
0x1d: {  	s5 =	simm.s32 @p1 $0x1;
	p0 =	seq.s32 s7, s2  }
0x1e: {  	s7 =	smul.u32 @!p0 $0xF7A, s2;
	p2 =	seq.s32 @!p0 s5, $0x0  }
0x1f: {  	s9 =	smul.u32 $0xF7A, s1;
	s8 =	simm.s32 @!p0 $0x1BF5;
	p2 =	por !p2, p0  }
0x20: {  	[sflag:s8] =	ssyncset.s32 @!p0 $0xFFFFF086;
	s6 =	sadd.s32 @!p0 s3, s7;
	s7 =	simm.s32 @!p0 $0x108  }
0x21: {  	s3 =	sadd.s32 s3, s9;
	s6 =	sadd.s32 @!p0 $0x88, s6;
	s7 =	simm.s32 @p2 $0x1082  }
0x22: {  	[simem:s7], [sflag:s8] =	dma.local @!p0 [hbm:s6], $0xF7A  }
0x23: {  	s9 =	sor.u32 $0xD0000000, s2;
	s6 =	simm.s32 $0x108;
	_ =	swait.ge @!p0 [sflag:s8], $0x0  }
0x24: {  	s3 =	sadd.s32 $0x88, s3;
	s6 =	simm.s32 @!p1 $0x1082;
	[sflag:s4] =	ssyncset.s32 $0xFFFFF086  }
0x25: {  	[simem:s6], [sflag:s4] =	dma.local [hbm:s3], $0xF7A  }
0x26: {  	[smem:$0x3F98] =	sst s1;
	(tag) =	ssettag s2;
	_ =	strace s9  }
0x27: {  	s1 =	sld [smem:$0x3FA8]  }
0x28: {  	s2 =	sld [smem:$0x3FA9]  }
0x29: {  	s4 =	sld [smem:$0x3FAB]  }
0x2a: {  	p0 =	seq.s32 s5, $0x0;
	s5 =	sld [smem:$0x3FAC]  }
0x2b: {  	s6 =	sld [smem:$0x3FAD]  }
0x2c: {  	s7 =	sld [smem:$0x3FAE]  }
0x2d: {  	s3 =	simm.s32 $0x108;
	s8 =	sld [smem:$0x3FAF]  }
0x2e: {  	s3 =	simm.s32 @!p0 $0x1082;
	s9 =	sld [smem:$0x3FB0]  }
0x2f: {  	lr =	sadd.s32 s0, s3;
	s0 =	sld [smem:$0x3FA7]  }
0x30: {  	s3 =	sld [smem:$0x3FAA]  }
0x31: {  	[smem:$0x3FB3] =	sst s10  }
0x32: {  	s10 =	sld [smem:$0x3FB1];
	_ =	sdelay $0x3  }
0x33: {  	p0 =	seq.s32 s10, $0x1;
	s10 =	sld [smem:$0x3FB3];
	_ =	sdelay $0x3  }
0x34: {  	[smem:$0x3FB3] =	sst s10  }
0x35: {  	s10 =	sld [smem:$0x3FB2];
	_ =	sdelay $0x3  }
0x36: {  	p1 =	seq.s32 s10, $0x1;
	s10 =	sld [smem:$0x3FB3];
	_ =	sdelay $0x3  }
0x37: {  	[smem:$0x3FB3] =	sst s10  }
0x38: {  	s10 =	sld [smem:$0x3FB4]  }
0x39: {  	_ = 	snop;
	(pc) =	sbr.ind lr, $3  }
0x3a: {  	_ = 	snop  }
0x3b: {  	_ = 	snop  }
0x3c: {  	p2 =	seq.s32 s10, $0x1;
	s10 =	sld [smem:$0x3FB3]  }
0x3d: {  	_ =	shalt  }
0x3e: {  	_ =	shalt  }
0x3f: {  	_ =	shalt  }
0x40: {  	_ =	shalt  }
0x41: {  	_ =	shalt  }
0x42: {  	_ =	shalt  }
0x43: {  	_ =	shalt  }
0x44: {  	_ =	shalt  }
0x45: {  	_ =	shalt  }
0x46: {  	_ =	shalt  }
0x47: {  	_ =	shalt  }
0x48: {  	_ =	shalt  }
0x49: {  	_ =	shalt  }
0x4a: {  	_ =	shalt  }
0x4b: {  	_ =	shalt  }
0x4c: {  	_ =	shalt  }
0x4d: {  	_ =	shalt  }
0x4e: {  	_ =	shalt  }
0x4f: {  	_ =	shalt  }
0x50: {  	_ =	shalt  }
0x51: {  	_ =	shalt  }
0x52: {  	_ =	shalt  }
0x53: {  	_ =	shalt  }
0x54: {  	_ =	shalt  }
0x55: {  	_ =	shalt  }
0x56: {  	_ =	shalt  }
0x57: {  	_ =	shalt  }
0x58: {  	_ =	shalt  }
0x59: {  	_ =	shalt  }
0x5a: {  	_ =	shalt  }
0x5b: {  	_ =	shalt  }
0x5c: {  	_ =	shalt  }
0x5d: {  	_ =	shalt  }
0x5e: {  	_ =	shalt  }
0x5f: {  	_ =	shalt  }
0x60: {  	_ =	shalt  }
0x61: {  	_ =	shalt  }
0x62: {  	_ =	shalt  }
0x63: {  	_ =	shalt  }
0x64: {  	_ =	shalt  }
0x65: {  	_ =	shalt  }
0x66: {  	_ =	shalt  }
0x67: {  	_ =	shalt  }
0x68: {  	_ =	shalt  }
0x69: {  	_ =	shalt  }
0x6a: {  	_ =	shalt  }
0x6b: {  	_ =	shalt  }
0x6c: {  	_ =	shalt  }
0x6d: {  	_ =	shalt  }
0x6e: {  	_ =	shalt  }
0x6f: {  	_ =	shalt  }
0x70: {  	_ =	shalt  }
0x71: {  	_ =	shalt  }
0x72: {  	_ =	shalt  }
0x73: {  	_ =	shalt  }
0x74: {  	_ =	shalt  }
0x75: {  	_ =	shalt  }
0x76: {  	_ =	shalt  }
0x77: {  	_ =	shalt  }
0x78: {  	_ =	shalt  }
0x79: {  	_ =	shalt  }
0x7a: {  	_ =	shalt  }
0x7b: {  	_ =	shalt  }
0x7c: {  	_ =	shalt  }
0x7d: {  	_ =	shalt  }
0x7e: {  	_ =	shalt  }
0x7f: {  	_ =	shalt  }
0x80: {  	_ =	shalt  }
0x81: {  	_ =	shalt  }
0x82: {  	_ =	shalt  }
0x83: {  	_ =	shalt  }
0x84: {  	_ =	shalt  }
0x85: {  	_ =	shalt  }
0x86: {  	_ =	shalt  }
0x87: {  	_ =	shalt  }
.Lfunc_end0:
.L_simem_size_0:
called_computation.1_lowered:
.L_overlay_start_0:
0x88: {  	s2 =	sld [smem:$0x3FD9]  }
0x89: {  	s3 =	sld [smem:$0x3FFE];
	_ =	sdelay $0x1  }
0x8a: {  	s1 =	srdreg.scid  }
0x8b: {  	s0 =	sand.u32 $0x1, s1  }
0x8c: {  	s17 =	sshll.u32 s0, $0xA;
	s2 =	sadd.s32 s3, s2  }
0x8d: {  	s2 =	sadd.s32 s2, s17  }
0x8e: {  	[smem:$0x3FBF] =	sst s2  }
0x8f: {  	_ = 	snop  }
0x90: {  	s2 =	sld [smem:$0x3FD0];
	(tm) =	ssettm $0x1  }
0x91: {  	s18 =	sld [smem:$0x3FFB];
	_ =	sdelay $0x3  }
0x92: {  	_ =	strace s18  }
0x93: {  	s3 =	sld [smem:$0x3FFC];
	_ =	sdelay $0x3  }
0x94: {  	_ =	strace s3  }
0x95: {  	s3 =	sld [smem:$0x3FFD];
	_ =	sdelay $0x3  }
0x96: {  	_ =	strace s3  }
0x97: {  	_ =	strace $0x8FFFFFFF  }
0x98: {  	s19 =	sld [smem:$0x3FDB];
	_ =	sdelay $0x1  }
0x99: {  	s4 =	simm.s32 $_scs_section_size  }
0x9a: {  	s5 =	simm.s32 $_size__tile_overlayer_lowered;
	s6 =	simm.s32 $_tile_overlayer_lowered  }
0x9b: {  	s22 =	simm.s32 $0x1BFF;
	s21 =	sshll.u32 s6, $0x1;
	s3 =	sadd.s32 s4, s19  }
0x9c: {  	s7 =	simm.s32 $0x0;
	s20 =	sshll.u32 s5, $0x1;
	s5 =	sadd.s32 s21, s3  }
0x9d: {  	[timem:s7], [sflag:s22] =	dma.local [hbm:s5], s20  }
0x9e: {  	_ =	swait.ge [sflag:s22], s20  }
0x9f: {  	s4 =	ssub.s32 $0x0, s20;
	[sflag:s22] =	ssyncset.done $0x0  }
0xa0: {  	[sflag:s22] =	ssyncadd.s32 s4;
	_ =	sdelay $0x1  }
0xa1: {  	s23 =	simm.s32 $0x1B8B  }
0xa2: {  	_ =	swait.ge [sflag:s23], $0x1  }
0xa3: {  	[sflag:s23] =	ssyncset.done $0x0  }
0xa4: {  	s25 =	simm.s32 $0x1B8E;
	s24 =	sld [smem:$0x3FFE];
	[sflag:s23] =	ssyncadd.s32 $0xFFFFFFFF  }
0xa5: {  	s26 =	simm.s32 $execute0_lowered;
	[smem:$0x3FD2] =	sst s25  }
0xa6: {  	s5 =	sshll.u32 s26, $0x1;
	_ =	strace $0x80000049;
	[dreg:$0x1] =	wrdreg $0xFFFFFFFF  }
0xa7: {  	s28 =	simm.s32 $_size_execute0_lowered;
	s3 =	sadd.s32 s3, s5;
	[dreg:$0x0] =	wrdreg $0x0  }
0xa8: {  	s5 =	sshll.u32 s28, $0x1;
	[dreg:$0x2] =	wrdreg s3  }
0xa9: {  	[dreg:$0x3] =	wrdreg s5  }
0xaa: {  	[dreg:$0x4] =	wrdreg $0xC0  }
0xab: {  	_ =	task [dreg:s7], $0x5FFFF  }
0xac: {  	[dreg:$0x1] =	wrdreg $0xFFFFFFFF  }
0xad: {  	[dreg:$0x0] =	wrdreg $0x60  }
0xae: {  	[dreg:$0x2] =	wrdreg s24  }
0xaf: {  	[dreg:$0x3] =	wrdreg s2  }
0xb0: {  	[dreg:$0x4] =	wrdreg $0x9  }
0xb1: {  	_ =	task.clear_ibuf [dreg:s7], $0x5FFFF;
	_ =	strace $0x90000049  }
0xb2: {  	s29 =	simm.s32 $0x9;
	_ =	strace $0x8000004B  }
0xb3: {  	_ =	swait.ge [sflag:s29], $0x1  }
0xb4: {  	[sflag:s29] =	ssyncadd.s32 $0xFFFFFFFF  }
0xb5: {  	_ =	strace $0x9000004B  }
0xb6: {  	_ =	sfence  }
0xb7: {  	s30 =	sld [smem:$0x0];
	_ =	sdelay $0x2  }
0xb8: {  	s31 =	sshll.u32 s1, $0xD;
	s1 =	sshrl.u32 s1, $0x2  }
0xb9: {  	s3 =	sand.u32 $0x4000, s31;
	s1 =	sadd.s32 s1, s30  }
0xba: {  	s0 =	sor.u32 s3, s0;
	s1 =	sshll.u32 s1, $0x11  }
0xbb: {  	s0 =	sor.u32 s1, s0  }
0xbc: {  	s0 =	sadd.s32 $0x8F2B, s0  }
0xbd: {  	[sflag:s0] =	ssyncadd.remote.s32 $0x1  }
0xbe: {  	_ =	sfence.sel $0xFFFF  }
0xbf: {  	[dreg:$0x0] =	wrdreg $0xFFFFFFFF;
	(pc) =	sbr.abs _section_cstart, $3  }
0xc0: {  	[dreg:$0x1] =	wrdreg $0xFFFFFFFF  }
0xc1: {  	_ =	task.clear_ibuf [dreg:s7], $0x2FFFF;
	_ =	strace $0x9FFFFFFF  }
0xc2: {  	(tm) =	ssettm $0x7FFFFFFF  }
0xc3: {  	_ =	shalt  }
tec
execute0_lowered:
.L_overlay_start_1:
0x0: {  	(tag) =	ssettag $0x1  }
0x1: {  	s4 =	rddreg [dreg:$0x0]  }
0x2: {  	s7 =	rddreg [dreg:$0x1];
	s2 =	srdreg.scid  }
0x3: {  	s0 =	rddreg [dreg:$0x2];
	s1 =	stileid.u32  }
0x4: {  	s10 =	simm.s32 $0x1000;
	s11 =	simm.s32 $0x3000;
	s12 =	simm.s32 $0x5000  }
0x5: {  	s13 =	simm.s32 $0x5080;
	s3 =	sand.u32 $0x1, s2;
	s2 =	simm.s32 $0x0  }
0x6: {  	v0 =	vlaneseq.u32;
	s5 =	sshll.u32 s1, $0x7;
	s6 =	sshll.u32 s3, $0x6;
	[smem:$0x7FF] =	sst s2  }
0x7: {  	v0 =	vmul.u32 $0x80, v0;
	s8 =	ssub.s32 $0x2, s3;
	s3 =	sadd.s32 $0x11600, s4;
	s5 =	sor.u32 s6, s5  }
0x8: {  	_ =	strace $0x8000004A;
	s9 =	sshrl.u32 s8, $0x1;
	s6 =	sshll.u32 s5, $0x4  }
0x9: {  	v1 =	vor.u32 $0x1, v0;
	s8 =	ssub.s32 s8, s9;
	s31 =	sshrl.u32 s5, $0x3;
	s9 =	simm.s32 $0x1  }
0xa: {  	v2 =	vor.u32 $0x800, v0;
	v3 =	vor.u32 $0x801, v0;
	v4 =	vor.u32 $0x1000, v0;
	s6 =	sadd.s32 s6, s4;
	s4 =	sadd.s32 $0x11800, s4;
	s7 =	sadd.s32 s7, s31  }
0xb: {  	v5 =	vor.u32 $0x1001, v0;
	v6 =	vor.u32 $0x1800, v0;
	v7 =	vor.u32 $0x1801, v0;
	s8 =	smax.u32 s8, $0x1;
	s5 =	sadd.s32 $0x1600, s6;
	s6 =	sadd.s32 $0x9600, s6  }
.LBB2_1:
0xc: {  	[tilespmem:s2], [sflag:$0x1] =	stream.linear.gather [hbm4b:s3+s2], $0x1000, $0x38;
	[tilespmem:$0x5100] =	vst v63  }
0xd: {  	_ =	swait.ge [sflag:s9], $0x1000  }
0xe: {  	[sflag:s9] =	ssyncset.done $0x0  }
0xf: {  	[sflag:s9] =	ssyncadd.s32 $0xFFFFF000  }
0x10: {  	[tilespmem:s10], [sflag:$0x1] =	stream.linear.gather [hbm4b:s5+s2], $0x2000, $0x38;
	[tilespmem:$0x5100] =	vst v63  }
0x11: {  	_ =	swait.ge [sflag:s9], $0x2000  }
0x12: {  	[sflag:s9] =	ssyncset.done $0x0  }
0x13: {  	[sflag:s9] =	ssyncadd.s32 $0xFFFFE000  }
0x14: {  	[tilespmem:s11], [sflag:$0x1] =	stream.linear.gather [hbm4b:s6+s2], $0x2000, $0x38;
	[tilespmem:$0x5100] =	vst v63  }
0x15: {  	_ =	swait.ge [sflag:s9], $0x2000  }
0x16: {  	[sflag:s9] =	ssyncset.done $0x0  }
0x17: {  	[sflag:s9] =	ssyncadd.s32 $0xFFFFE000  }
0x18: {  	[tilespmem:s12], [sflag:$0x1] =	stream.linear.gather [hbm4b:s4+s2], $0x80, $0x38;
	[tilespmem:$0x5100] =	vst v63  }
0x19: {  	_ =	swait.ge [sflag:s9], $0x80  }
0x1a: {  	[sflag:s9] =	ssyncset.done $0x0  }
0x1b: {  	[sflag:s9] =	ssyncadd.s32 $0xFFFFFF80  }
0x1c: {  	v8 =	vld.idx.msk [tilespmem:v0+s10+$0x0], $0xffff  }
0x1d: {  	v9 =	vld.idx.msk [tilespmem:v1+s10+$0x0], $0xffff;
	_ =	sdelay $0x4  }
0x1e: {  	v10 =	vld.idx.msk [tilespmem:v0+s11+$0x0], $0xffff  }
0x1f: {  	v11 =	vld.idx.msk [tilespmem:v1+s11+$0x0], $0xffff  }
0x20: {  	v8 =	vld.idx.msk [tilespmem:v8+s2+$0x0], $0xffff  }
0x21: {  	v9 =	vld.idx.msk [tilespmem:v9+s2+$0x0], $0xffff;
	_ =	sdelay $0x3  }
0x22: {  	v12 =	vld [tilespmem:$0x5000]  }
0x23: {  	v8 =	vmul.f32 v8, v10;
	v9 =	vmul.f32 v9, v11;
	_ =	sdelay $0x1  }
0x24: {  	v8 =	vadd.f32 v9, v8;
	_ =	sdelay $0x1  }
0x25: {  	v8 =	vadd.f32 v8, v12;
	_ =	sdelay $0x1  }
0x26: {  	[tilespmem:$0x5080] =	vst v8  }
0x27: {  	v8 =	vld.idx.msk [tilespmem:v2+s10+$0x0], $0xffff  }
0x28: {  	v55 =	vld.idx.msk [tilespmem:v3+s10+$0x0], $0xffff;
	_ =	sdelay $0x4  }
0x29: {  	v56 =	vld.idx.msk [tilespmem:v2+s11+$0x0], $0xffff  }
0x2a: {  	v57 =	vld.idx.msk [tilespmem:v3+s11+$0x0], $0xffff  }
0x2b: {  	v8 =	vld.idx.msk [tilespmem:v8+s2+$0x0], $0xffff  }
0x2c: {  	v9 =	vld.idx.msk [tilespmem:v55+s2+$0x0], $0xffff;
	_ =	sdelay $0x4  }
0x2d: {  	v8 =	vmul.f32 v8, v56;
	v9 =	vmul.f32 v9, v57;
	_ =	sdelay $0x1  }
0x2e: {  	v8 =	vadd.f32 v9, v8;
	_ =	sdelay $0x1  }
0x2f: {  	v8 =	vadd.f32 v8, v12;
	_ =	sdelay $0x1  }
0x30: {  	[tilespmem:$0x5090] =	vst v8  }
0x31: {  	v8 =	vld.idx.msk [tilespmem:v4+s10+$0x0], $0xffff  }
0x32: {  	v58 =	vld.idx.msk [tilespmem:v5+s10+$0x0], $0xffff;
	_ =	sdelay $0x4  }
0x33: {  	v59 =	vld.idx.msk [tilespmem:v4+s11+$0x0], $0xffff  }
0x34: {  	v60 =	vld.idx.msk [tilespmem:v5+s11+$0x0], $0xffff  }
0x35: {  	v8 =	vld.idx.msk [tilespmem:v8+s2+$0x0], $0xffff  }
0x36: {  	v9 =	vld.idx.msk [tilespmem:v58+s2+$0x0], $0xffff;
	_ =	sdelay $0x4  }
0x37: {  	v8 =	vmul.f32 v8, v59;
	v9 =	vmul.f32 v9, v60;
	_ =	sdelay $0x1  }
0x38: {  	v8 =	vadd.f32 v9, v8;
	_ =	sdelay $0x1  }
0x39: {  	v8 =	vadd.f32 v8, v12;
	_ =	sdelay $0x1  }
0x3a: {  	[tilespmem:$0x50A0] =	vst v8  }
0x3b: {  	v8 =	vld.idx.msk [tilespmem:v6+s10+$0x0], $0xffff  }
0x3c: {  	v61 =	vld.idx.msk [tilespmem:v7+s10+$0x0], $0xffff;
	_ =	sdelay $0x4  }
0x3d: {  	v62 =	vld.idx.msk [tilespmem:v6+s11+$0x0], $0xffff  }
0x3e: {  	v63 =	vld.idx.msk [tilespmem:v7+s11+$0x0], $0xffff  }
0x3f: {  	v8 =	vld.idx.msk [tilespmem:v8+s2+$0x0], $0xffff  }
0x40: {  	v9 =	vld.idx.msk [tilespmem:v61+s2+$0x0], $0xffff;
	_ =	sdelay $0x4  }
0x41: {  	v8 =	vmul.f32 v8, v62;
	v9 =	vmul.f32 v9, v63;
	_ =	sdelay $0x1  }
0x42: {  	v8 =	vadd.f32 v9, v8;
	_ =	sdelay $0x1  }
0x43: {  	v8 =	vadd.f32 v8, v12  }
0x44: {  	p0 =	sne.s32 s8, $0x1  }
.Ltmp0:
0x45: {  	[tilespmem:$0x50B0] =	vst v8;
	(pc) =	sbr.rel @p0 .LBB2_1-.Ltmp0, $4  }
0x46: {  	[hbm4b:s7+s2] =	stream.linear.scatter [tilespmem:s13], [sflag:$0x1], $0x40, $0x38;
	[tilespmem:$0x5100] =	vst v63  }
0x47: {  	_ =	swait.ge [sflag:s9], $0x40  }
0x48: {  	[sflag:s9] =	ssyncset.done $0x0  }
0x49: {  	s8 =	sadd.s32 $0xFFFFFFFF, s8;
	[sflag:s9] =	ssyncadd.s32 $0xFFFFFFC0  }
0x4a: {  	_ =	sfence.sel $0x180000  }
0x4b: {  	[bflag:$0x0] =	sbarrier.arrive $0xFFFF  }
0x4c: {  	p0 =	sne.s32 s1, $0x0;
	_ =	strace $0x9000004A  }
0x4d: {  	s0 =	sadd.s32 @!p0 $0x100000, s0;
	[bflag:$0x2] =	sbarrier.arrive $0xFFFF  }
0x4e: {  	[sflag:s0] =	ssyncadd.tile.s32 @!p0 $0x1;
	_ =	shalt  }
.Lfunc_end2:
_tile_overlayer_lowered:
.L_overlay_start_2:
0x4f: {  	(tag) =	ssettag $0x2  }
0x50: {  	s0 =	rddreg [dreg:$0x0];
	s2 =	stileid.u32  }
0x51: {  	s1 =	rddreg [dreg:$0x1];
	p0 =	sne.s32 s2, $0x0  }
0x52: {  	s3 =	rddreg [dreg:$0x2];
	[bflag:$0x3] =	sbarrier.arrive $0xFFFF;
	s2 =	simm.s32 @!p0 $0x1C01  }
0x53: {  	[timem:s3], [sflag:s2] =	dma.local @!p0 [hbm:s0], s1  }
0x54: {  	s0 =	simm.s32 @!p0 $0x1  }
0x55: {  	_ =	swait.ge @!p0 [sflag:s0], s1  }
0x56: {  	s1 =	ssub.s32 @!p0 $0x0, s1;
	[sflag:s0] =	ssyncset.done @!p0 $0x0  }
0x57: {  	[sflag:s0] =	ssyncadd.s32 @!p0 s1  }
0x58: {  	[bflag:$0x3] =	sbarrier.arrive $0xFFFF  }
0x59: {  	_ =	shalt  }

// kernel: kernel.7.cloned.1.call-start
scs
__scs_entry_jumppad:
0x0: {  	(pc) =	sbr.rel $0x88, $3  }
0x1: {  	(tag) =	ssettag $0x0;
	lr =	simm.s32 $0x1  }
0x2: {  	[smem:$0x3F98] =	sst lr;
	_ =	strace $0xD0000000  }
0x3: {  	_ = 	snop  }
0x4: {  	_ = 	snop  }
0x5: {  	_ = 	snop  }
0x6: {  	_ = 	snop  }
0x7: {  	_ = 	snop  }
__scs_overlays_trampoline_lowered:
0x8: {  	[smem:$0x3FA7] =	sst s0  }
0x9: {  	[smem:$0x3FA8] =	sst s1  }
0xa: {  	[smem:$0x3FA9] =	sst s2  }
0xb: {  	[smem:$0x3FAA] =	sst s3  }
0xc: {  	[smem:$0x3FAB] =	sst s4  }
0xd: {  	[smem:$0x3FAC] =	sst s5  }
0xe: {  	[smem:$0x3FAD] =	sst s6  }
0xf: {  	[smem:$0x3FAE] =	sst s7  }
0x10: {  	[smem:$0x3FAF] =	sst s8  }
0x11: {  	[smem:$0x3FB0] =	sst s9;
	s0 =	simm.s32 @!p0 $0x0  }
0x12: {  	s1 =	sld [smem:$0x3F96];
	s0 =	simm.s32 @p0 $0x1  }
0x13: {  	[smem:$0x3FB1] =	sst s0;
	s0 =	simm.s32 @!p1 $0x0  }
0x14: {  	s2 =	sld [smem:$0x3F95];
	s0 =	simm.s32 @p1 $0x1  }
0x15: {  	[smem:$0x3FB2] =	sst s0;
	s0 =	simm.s32 @!p2 $0x0  }
0x16: {  	s3 =	sld [smem:$0x3FDB];
	s0 =	simm.s32 @p2 $0x1  }
0x17: {  	s4 =	simm.s32 $0x1BF5;
	[smem:$0x3FB4] =	sst s0  }
0x18: {  	s0 =	sld [smem:$0x3F97];
	_ =	swait.ge [sflag:s4], $0x0  }
0x19: {  	s7 =	sld [smem:$0x3F98]  }
0x1a: {  	s8 =	sadd.s32 $0xFFFFE003, lr  }
0x1b: {  	s9 =	sadd.s32 $0xFFFFFEF7, lr;
	s5 =	simm.s32 $0xFFFFFFFF;
	p2 =	slt.u32 s8, $0xFFFFF086  }
0x1c: {  	p1 =	slt.u32 s9, $0xF7A;
	s5 =	simm.s32 @!p2 $0x0  }
0x1d: {  	s5 =	simm.s32 @p1 $0x1;
	p0 =	seq.s32 s7, s2  }
0x1e: {  	s7 =	smul.u32 @!p0 $0xF7A, s2;
	p2 =	seq.s32 @!p0 s5, $0x0  }
0x1f: {  	s9 =	smul.u32 $0xF7A, s1;
	s8 =	simm.s32 @!p0 $0x1BF5;
	p2 =	por !p2, p0  }
0x20: {  	[sflag:s8] =	ssyncset.s32 @!p0 $0xFFFFF086;
	s6 =	sadd.s32 @!p0 s3, s7;
	s7 =	simm.s32 @!p0 $0x108  }
0x21: {  	s3 =	sadd.s32 s3, s9;
	s6 =	sadd.s32 @!p0 $0x88, s6;
	s7 =	simm.s32 @p2 $0x1082  }
0x22: {  	[simem:s7], [sflag:s8] =	dma.local @!p0 [hbm:s6], $0xF7A  }
0x23: {  	s9 =	sor.u32 $0xD0000000, s2;
	s6 =	simm.s32 $0x108;
	_ =	swait.ge @!p0 [sflag:s8], $0x0  }
0x24: {  	s3 =	sadd.s32 $0x88, s3;
	s6 =	simm.s32 @!p1 $0x1082;
	[sflag:s4] =	ssyncset.s32 $0xFFFFF086  }
0x25: {  	[simem:s6], [sflag:s4] =	dma.local [hbm:s3], $0xF7A  }
0x26: {  	[smem:$0x3F98] =	sst s1;
	(tag) =	ssettag s2;
	_ =	strace s9  }
0x27: {  	s1 =	sld [smem:$0x3FA8]  }
0x28: {  	s2 =	sld [smem:$0x3FA9]  }
0x29: {  	s4 =	sld [smem:$0x3FAB]  }
0x2a: {  	p0 =	seq.s32 s5, $0x0;
	s5 =	sld [smem:$0x3FAC]  }
0x2b: {  	s6 =	sld [smem:$0x3FAD]  }
0x2c: {  	s7 =	sld [smem:$0x3FAE]  }
0x2d: {  	s3 =	simm.s32 $0x108;
	s8 =	sld [smem:$0x3FAF]  }
0x2e: {  	s3 =	simm.s32 @!p0 $0x1082;
	s9 =	sld [smem:$0x3FB0]  }
0x2f: {  	lr =	sadd.s32 s0, s3;
	s0 =	sld [smem:$0x3FA7]  }
0x30: {  	s3 =	sld [smem:$0x3FAA]  }
0x31: {  	[smem:$0x3FB3] =	sst s10  }
0x32: {  	s10 =	sld [smem:$0x3FB1];
	_ =	sdelay $0x3  }
0x33: {  	p0 =	seq.s32 s10, $0x1;
	s10 =	sld [smem:$0x3FB3];
	_ =	sdelay $0x3  }
0x34: {  	[smem:$0x3FB3] =	sst s10  }
0x35: {  	s10 =	sld [smem:$0x3FB2];
	_ =	sdelay $0x3  }
0x36: {  	p1 =	seq.s32 s10, $0x1;
	s10 =	sld [smem:$0x3FB3];
	_ =	sdelay $0x3  }
0x37: {  	[smem:$0x3FB3] =	sst s10  }
0x38: {  	s10 =	sld [smem:$0x3FB4]  }
0x39: {  	_ = 	snop;
	(pc) =	sbr.ind lr, $3  }
0x3a: {  	_ = 	snop  }
0x3b: {  	_ = 	snop  }
0x3c: {  	p2 =	seq.s32 s10, $0x1;
	s10 =	sld [smem:$0x3FB3]  }
0x3d: {  	_ =	shalt  }
0x3e: {  	_ =	shalt  }
0x3f: {  	_ =	shalt  }
0x40: {  	_ =	shalt  }
0x41: {  	_ =	shalt  }
0x42: {  	_ =	shalt  }
0x43: {  	_ =	shalt  }
0x44: {  	_ =	shalt  }
0x45: {  	_ =	shalt  }
0x46: {  	_ =	shalt  }
0x47: {  	_ =	shalt  }
0x48: {  	_ =	shalt  }
0x49: {  	_ =	shalt  }
0x4a: {  	_ =	shalt  }
0x4b: {  	_ =	shalt  }
0x4c: {  	_ =	shalt  }
0x4d: {  	_ =	shalt  }
0x4e: {  	_ =	shalt  }
0x4f: {  	_ =	shalt  }
0x50: {  	_ =	shalt  }
0x51: {  	_ =	shalt  }
0x52: {  	_ =	shalt  }
0x53: {  	_ =	shalt  }
0x54: {  	_ =	shalt  }
0x55: {  	_ =	shalt  }
0x56: {  	_ =	shalt  }
0x57: {  	_ =	shalt  }
0x58: {  	_ =	shalt  }
0x59: {  	_ =	shalt  }
0x5a: {  	_ =	shalt  }
0x5b: {  	_ =	shalt  }
0x5c: {  	_ =	shalt  }
0x5d: {  	_ =	shalt  }
0x5e: {  	_ =	shalt  }
0x5f: {  	_ =	shalt  }
0x60: {  	_ =	shalt  }
0x61: {  	_ =	shalt  }
0x62: {  	_ =	shalt  }
0x63: {  	_ =	shalt  }
0x64: {  	_ =	shalt  }
0x65: {  	_ =	shalt  }
0x66: {  	_ =	shalt  }
0x67: {  	_ =	shalt  }
0x68: {  	_ =	shalt  }
0x69: {  	_ =	shalt  }
0x6a: {  	_ =	shalt  }
0x6b: {  	_ =	shalt  }
0x6c: {  	_ =	shalt  }
0x6d: {  	_ =	shalt  }
0x6e: {  	_ =	shalt  }
0x6f: {  	_ =	shalt  }
0x70: {  	_ =	shalt  }
0x71: {  	_ =	shalt  }
0x72: {  	_ =	shalt  }
0x73: {  	_ =	shalt  }
0x74: {  	_ =	shalt  }
0x75: {  	_ =	shalt  }
0x76: {  	_ =	shalt  }
0x77: {  	_ =	shalt  }
0x78: {  	_ =	shalt  }
0x79: {  	_ =	shalt  }
0x7a: {  	_ =	shalt  }
0x7b: {  	_ =	shalt  }
0x7c: {  	_ =	shalt  }
0x7d: {  	_ =	shalt  }
0x7e: {  	_ =	shalt  }
0x7f: {  	_ =	shalt  }
0x80: {  	_ =	shalt  }
0x81: {  	_ =	shalt  }
0x82: {  	_ =	shalt  }
0x83: {  	_ =	shalt  }
0x84: {  	_ =	shalt  }
0x85: {  	_ =	shalt  }
0x86: {  	_ =	shalt  }
0x87: {  	_ =	shalt  }
.Lfunc_end0:
.L_simem_size_0:
called_computation_lowered:
.L_overlay_start_0:
0x88: {  	s2 =	sld [smem:$0x3FD9]  }
0x89: {  	s3 =	sld [smem:$0x3FFE];
	_ =	sdelay $0x1  }
0x8a: {  	s1 =	srdreg.scid  }
0x8b: {  	s0 =	sand.u32 $0x1, s1  }
0x8c: {  	s17 =	sshll.u32 s0, $0xA;
	s2 =	sadd.s32 s3, s2  }
0x8d: {  	s2 =	sadd.s32 s2, s17  }
0x8e: {  	[smem:$0x3FBF] =	sst s2  }
0x8f: {  	_ = 	snop  }
0x90: {  	s2 =	sld [smem:$0x3FC9];
	(tm) =	ssettm $0x1  }
0x91: {  	s18 =	sld [smem:$0x3FFB];
	_ =	sdelay $0x3  }
0x92: {  	_ =	strace s18  }
0x93: {  	s3 =	sld [smem:$0x3FFC];
	_ =	sdelay $0x3  }
0x94: {  	_ =	strace s3  }
0x95: {  	s3 =	sld [smem:$0x3FFD];
	_ =	sdelay $0x3  }
0x96: {  	_ =	strace s3  }
0x97: {  	_ =	strace $0x8FFFFFFF  }
0x98: {  	s19 =	sld [smem:$0x3FDB];
	_ =	sdelay $0x1  }
0x99: {  	s4 =	simm.s32 $_scs_section_size  }
0x9a: {  	s5 =	simm.s32 $_size__tile_overlayer_lowered;
	s6 =	simm.s32 $_tile_overlayer_lowered  }
0x9b: {  	s22 =	simm.s32 $0x1BFF;
	s21 =	sshll.u32 s6, $0x1;
	s3 =	sadd.s32 s4, s19  }
0x9c: {  	s7 =	simm.s32 $0x0;
	s20 =	sshll.u32 s5, $0x1;
	s5 =	sadd.s32 s21, s3  }
0x9d: {  	[timem:s7], [sflag:s22] =	dma.local [hbm:s5], s20  }
0x9e: {  	_ =	swait.ge [sflag:s22], s20  }
0x9f: {  	s4 =	ssub.s32 $0x0, s20;
	[sflag:s22] =	ssyncset.done $0x0  }
0xa0: {  	[sflag:s22] =	ssyncadd.s32 s4;
	_ =	sdelay $0x1  }
0xa1: {  	s23 =	simm.s32 $0x1B8B  }
0xa2: {  	_ =	swait.ge [sflag:s23], $0x1  }
0xa3: {  	[sflag:s23] =	ssyncset.done $0x0  }
0xa4: {  	s25 =	simm.s32 $0x1B8E;
	s24 =	sld [smem:$0x3FFE];
	[sflag:s23] =	ssyncadd.s32 $0xFFFFFFFF  }
0xa5: {  	s26 =	simm.s32 $execute0_lowered;
	[smem:$0x3FD2] =	sst s25  }
0xa6: {  	s5 =	sshll.u32 s26, $0x1;
	_ =	strace $0x80000046;
	[dreg:$0x1] =	wrdreg $0xFFFFFFFF  }
0xa7: {  	s28 =	simm.s32 $_size_execute0_lowered;
	s3 =	sadd.s32 s3, s5;
	[dreg:$0x0] =	wrdreg $0x0  }
0xa8: {  	s5 =	sshll.u32 s28, $0x1;
	[dreg:$0x2] =	wrdreg s3  }
0xa9: {  	[dreg:$0x3] =	wrdreg s5  }
0xaa: {  	[dreg:$0x4] =	wrdreg $0xC0  }
0xab: {  	_ =	task [dreg:s7], $0x5FFFF  }
0xac: {  	[dreg:$0x1] =	wrdreg $0xFFFFFFFF  }
0xad: {  	[dreg:$0x0] =	wrdreg $0x60  }
0xae: {  	[dreg:$0x2] =	wrdreg s2  }
0xaf: {  	[dreg:$0x3] =	wrdreg s24  }
0xb0: {  	[dreg:$0x4] =	wrdreg $0x9  }
0xb1: {  	_ =	task.clear_ibuf [dreg:s7], $0x5FFFF;
	_ =	strace $0x90000046  }
0xb2: {  	s29 =	simm.s32 $0x9;
	_ =	strace $0x80000048  }
0xb3: {  	_ =	swait.ge [sflag:s29], $0x1  }
0xb4: {  	[sflag:s29] =	ssyncadd.s32 $0xFFFFFFFF  }
0xb5: {  	_ =	strace $0x90000048  }
0xb6: {  	_ =	sfence  }
0xb7: {  	s30 =	sld [smem:$0x0];
	_ =	sdelay $0x2  }
0xb8: {  	s31 =	sshll.u32 s1, $0xD;
	s1 =	sshrl.u32 s1, $0x2  }
0xb9: {  	s3 =	sand.u32 $0x4000, s31;
	s1 =	sadd.s32 s1, s30  }
0xba: {  	s0 =	sor.u32 s3, s0;
	s1 =	sshll.u32 s1, $0x11  }
0xbb: {  	s0 =	sor.u32 s1, s0  }
0xbc: {  	s0 =	sadd.s32 $0x8F2B, s0  }
0xbd: {  	[sflag:s0] =	ssyncadd.remote.s32 $0x1  }
0xbe: {  	_ =	sfence.sel $0xFFFF  }
0xbf: {  	[dreg:$0x0] =	wrdreg $0xFFFFFFFF;
	(pc) =	sbr.abs _section_cstart, $3  }
0xc0: {  	[dreg:$0x1] =	wrdreg $0xFFFFFFFF  }
0xc1: {  	_ =	task.clear_ibuf [dreg:s7], $0x2FFFF;
	_ =	strace $0x9FFFFFFF  }
0xc2: {  	(tm) =	ssettm $0x7FFFFFFF  }
0xc3: {  	_ =	shalt  }
tec
execute0_lowered:
.L_overlay_start_1:
0x0: {  	(tag) =	ssettag $0x1  }
0x1: {  	s3 =	rddreg [dreg:$0x0];
	s2 =	srdreg.scid  }
0x2: {  	s1 =	rddreg [dreg:$0x1];
	s5 =	sand.u32 $0x1, s2;
	s2 =	simm.s32 $0x0  }
0x3: {  	s21 =	simm.s32 $0x4900;
	[smem:$0x7FF] =	sst s2  }
0x4: {  	s22 =	simm.s32 $0x5100;
	_ =	strace $0x80000047;
	[dreg:$0x6] =	wrdreg s21  }
0x5: {  	s23 =	simm.s32 $0x5900;
	[dreg:$0x7] =	wrdreg s22  }
0x6: {  	s24 =	simm.s32 $0x6100;
	[dreg:$0x8] =	wrdreg s23  }
0x7: {  	s25 =	simm.s32 $0x6900;
	[dreg:$0x9] =	wrdreg s24  }
0x8: {  	s26 =	simm.s32 $0x7100;
	[dreg:$0xa] =	wrdreg s25  }
0x9: {  	s8 =	simm.s32 $0x9100;
	[dreg:$0xb] =	wrdreg s26  }
0xa: {  	s0 =	stileid.u32;
	s9 =	simm.s32 $0x9900;
	[dreg:$0xf] =	wrdreg s8  }
0xb: {  	s10 =	simm.s32 $0xA100;
	s11 =	simm.s32 $0xA900;
	[dreg:$0x10] =	wrdreg s9  }
0xc: {  	s12 =	simm.s32 $0xB100;
	s13 =	simm.s32 $0xB900;
	[dreg:$0x11] =	wrdreg s10  }
0xd: {  	s14 =	simm.s32 $0xC100;
	s15 =	simm.s32 $0xC900;
	[dreg:$0x12] =	wrdreg s11  }
0xe: {  	s16 =	simm.s32 $0xD100;
	s18 =	simm.s32 $0xD900;
	[dreg:$0x13] =	wrdreg s12  }
0xf: {  	s19 =	simm.s32 $0xE100;
	s28 =	simm.s32 $0x1A100;
	[dreg:$0x14] =	wrdreg s13  }
0x10: {  	s29 =	simm.s32 $0x1A900;
	s4 =	sshll.u32 s0, $0x1;
	[dreg:$0x15] =	wrdreg s14  }
0x11: {  	s30 =	simm.s32 $0x1B100;
	s20 =	sand.u32 $0xE, s4;
	[dreg:$0x16] =	wrdreg s15  }
0x12: {  	s31 =	simm.s32 $0x1B900;
	s4 =	sor.u32 s5, s20;
	[dreg:$0x17] =	wrdreg s16  }
0x13: {  	s5 =	ssub.s32 $0x2, s5;
	[dreg:$0x18] =	wrdreg s18;
	s26 =	sshrl.u32 s0, $0x3  }
0x14: {  	[dreg:$0x19] =	wrdreg s19;
	s20 =	simm.s32 $0xE900;
	s21 =	simm.s32 $0xF100  }
0x15: {  	s22 =	simm.s32 $0xF900;
	s23 =	simm.s32 $0x10900;
	s24 =	simm.s32 $0x11100  }
0x16: {  	s8 =	simm.s32 $0x4100;
	s25 =	simm.s32 $0x11900;
	s9 =	simm.s32 $0x10100  }
0x17: {  	s10 =	simm.s32 $0x1;
	s12 =	simm.s32 $0x12900;
	[dreg:$0x1a] =	wrdreg s20  }
0x18: {  	s13 =	simm.s32 $0x13100;
	s14 =	simm.s32 $0x13900;
	[dreg:$0x1b] =	wrdreg s21  }
0x19: {  	s15 =	simm.s32 $0x14100;
	s16 =	simm.s32 $0x14900;
	[dreg:$0x1c] =	wrdreg s22  }
0x1a: {  	s18 =	simm.s32 $0x15900;
	s19 =	simm.s32 $0x16100;
	[dreg:$0x1d] =	wrdreg s23  }
0x1b: {  	s6 =	sshll.u32 s4, $0xB;
	s7 =	smul.u32 $0x18000, s4;
	[dreg:$0x1e] =	wrdreg s24  }
0x1c: {  	v10 =	vlaneseq.u32;
	s4 =	smul.u32 $0x3000, s4;
	s17 =	sshrl.u32 s5, $0x1;
	[dreg:$0x1f] =	wrdreg s25  }
0x1d: {  	v7 =	vmul.u32 $0x80, v10;
	s20 =	simm.s32 $0x16900;
	s21 =	simm.s32 $0x17100;
	s6 =	sadd.s32 s6, s1  }
0x1e: {  	s22 =	simm.s32 $0x17900;
	s23 =	simm.s32 $0x18100;
	s6 =	sadd.s32 $0x1600, s6  }
0x1f: {  	v1 =	vor.u32 $0x800, v7;
	v2 =	vor.u32 $0x1000, v7;
	v3 =	vor.u32 $0x1800, v7;
	s24 =	simm.s32 $0x18900;
	s4 =	sadd.s32 s3, s4;
	[dreg:$0x3] =	wrdreg s6  }
0x20: {  	v4 =	vor.u32 $0x2000, v7;
	v5 =	vor.u32 $0x2800, v7;
	v6 =	vor.u32 $0x3000, v7;
	s25 =	simm.s32 $0x19100;
	[dreg:$0x4] =	wrdreg s4;
	s4 =	simm.s32 $0x7900  }
0x21: {  	v0 =	vor.u32 s26, v7;
	v1 =	vor.u32 s26, v1;
	v2 =	vor.u32 s26, v2;
	s7 =	sshrl.u32 s7, $0x3;
	s6 =	simm.s32 $0x8100;
	[dreg:$0xc] =	wrdreg s4  }
0x22: {  	v3 =	vor.u32 s26, v3;
	v4 =	vor.u32 s26, v4;
	v7 =	vor.u32 $0x3800, v7;
	s3 =	sadd.s32 s3, s7;
	s7 =	simm.s32 $0x8900;
	[dreg:$0xd] =	wrdreg s6  }
0x23: {  	v5 =	vor.u32 s26, v5;
	v6 =	vor.u32 s26, v6;
	v7 =	vor.u32 s26, v7;
	s26 =	simm.s32 $0x19900;
	s3 =	sadd.s32 $0x1800, s3;
	[dreg:$0xe] =	wrdreg s7  }
0x24: {  	s6 =	ssub.s32 s5, s17;
	s4 =	sadd.s32 $0x11700, s1;
	s5 =	sadd.s32 $0x11800, s1  }
0x25: {  	vm0 =	vmmov $0xffff;
	v9 =	vshrl.u32 v10, $0x3;
	s7 =	simm.s32 $0x3;
	s17 =	simm.s32 $0x15100;
	[dreg:$0x5] =	wrdreg s3  }
0x26: {  	v8 =	vand.u32 $0x7, v10;
	v10 =	vor.u32 $0x8, v10;
	v9 =	vmul.u32 $0x8, v9;
	s3 =	sadd.s32 $0x11600, s1;
	s6 =	smax.u32 s6, $0x1;
	s1 =	simm.s32 $0x2  }
.LBB2_1:
0x27: {  	s0 =	rddreg [dreg:$0x3]  }
0x28: {  	[tilespmem:s2], [sflag:$0x3] =	stream.linear.gather [hbm4b:s0+s2], $0x4000, $0x38;
	[tilespmem:$0x1C100] =	vst v63  }
0x29: {  	_ =	swait.ge [sflag:s7], $0x4000  }
0x2a: {  	[sflag:s7] =	ssyncset.done $0x0  }
0x2b: {  	s0 =	rddreg [dreg:$0x4];
	[sflag:s7] =	ssyncadd.s32 $0xFFFFC000  }
0x2c: {  	[tilespmem:s8], [sflag:$0x1] =	stream.linear.gather [hbm4b:s0+s2], $0xC000, $0x38;
	[tilespmem:$0x1C100] =	vst v63  }
0x2d: {  	s11 =	rddreg [dreg:$0x5]  }
0x2e: {  	[tilespmem:s9], [sflag:$0x1] =	stream.linear.gather [hbm4b:s11+s2], $0xC000, $0x38;
	[tilespmem:$0x1C100] =	vst v63  }
0x2f: {  	v11 =	vld.idx.msk [tilespmem:v0+s2+$0x0], $0xffff;
	_ =	sdelay $0x4  }
0x30: {  	[tilespmem:$0x4000] =	vst v11  }
0x31: {  	v11 =	vld.idx.msk [tilespmem:v1+s2+$0x0], $0xffff;
	_ =	sdelay $0x4  }
0x32: {  	[tilespmem:$0x4010] =	vst v11  }
0x33: {  	v11 =	vld.idx.msk [tilespmem:v2+s2+$0x0], $0xffff;
	_ =	sdelay $0x4  }
0x34: {  	[tilespmem:$0x4020] =	vst v11  }
0x35: {  	v11 =	vld.idx.msk [tilespmem:v3+s2+$0x0], $0xffff;
	_ =	sdelay $0x4  }
0x36: {  	[tilespmem:$0x4030] =	vst v11  }
0x37: {  	v11 =	vld.idx.msk [tilespmem:v4+s2+$0x0], $0xffff;
	_ =	sdelay $0x4  }
0x38: {  	[tilespmem:$0x4080] =	vst v11  }
0x39: {  	v11 =	vld.idx.msk [tilespmem:v5+s2+$0x0], $0xffff;
	_ =	sdelay $0x4  }
0x3a: {  	[tilespmem:$0x4090] =	vst v11  }
0x3b: {  	v11 =	vld.idx.msk [tilespmem:v6+s2+$0x0], $0xffff;
	_ =	sdelay $0x4  }
0x3c: {  	[tilespmem:$0x40A0] =	vst v11  }
0x3d: {  	v11 =	vld.idx.msk [tilespmem:v7+s2+$0x0], $0xffff;
	_ =	sdelay $0x4  }
0x3e: {  	[tilespmem:$0x40B0] =	vst v11  }
0x3f: {  	_ =	swait.ge [sflag:s10], $0xC000  }
0x40: {  	[sflag:s10] =	ssyncset.done $0x0  }
0x41: {  	[sflag:s10] =	ssyncadd.s32 $0xFFFF4000  }
0x42: {  	v11 =	vld [tilespmem:$0x4000];
	_ =	sdelay $0x4  }
0x43: {  	v12 =	vshrl.u32 v11, $0x3  }
0x44: {  	v12 =	vmul.u32 $0x30, v12  }
0x45: {  	v11 =	vand.u32 $0x7, v11  }
0x46: {  	v11 =	vor.u32 v11, v12  }
0x47: {  	v12 =	vperm.xlane v11, v8;
	_ =	sdelay $0x1  }
0x48: {  	v12 =	vadd.s32 v9, v12;
	_ =	sdelay $0x3  }
0x49: {  	v11 =	vperm.xlane v11, v10  }
0x4a: {  	[hbm4b:s3+s2] =	stream.indirect_vreg.scatter [tilespmem:s8], [sflag:$0x2], $0x80, v12, vm0, $0xb8;
	[tilespmem:$0x1C100] =	vst v63  }
0x4b: {  	s0 =	rddreg [dreg:$0x6];
	v11 =	vadd.s32 v9, v11  }
0x4c: {  	[hbm4b:s4+s2] =	stream.indirect_vreg.scatter [tilespmem:s0], [sflag:$0x2], $0x80, v12, vm0, $0xb8;
	[tilespmem:$0x1C100] =	vst v63  }
0x4d: {  	s11 =	rddreg [dreg:$0x7]  }
0x4e: {  	[hbm4b:s5+s2] =	stream.indirect_vreg.scatter [tilespmem:s11], [sflag:$0x2], $0x80, v12, vm0, $0xb8;
	[tilespmem:$0x1C100] =	vst v63  }
0x4f: {  	s0 =	rddreg [dreg:$0x8]  }
0x50: {  	[hbm4b:s3+s2] =	stream.indirect_vreg.scatter [tilespmem:s0], [sflag:$0x2], $0x80, v11, vm0, $0xb8;
	[tilespmem:$0x1C100] =	vst v63  }
0x51: {  	s11 =	rddreg [dreg:$0x9]  }
0x52: {  	[hbm4b:s4+s2] =	stream.indirect_vreg.scatter [tilespmem:s11], [sflag:$0x2], $0x80, v11, vm0, $0xb8;
	[tilespmem:$0x1C100] =	vst v63  }
0x53: {  	s0 =	rddreg [dreg:$0xa]  }
0x54: {  	[hbm4b:s5+s2] =	stream.indirect_vreg.scatter [tilespmem:s0], [sflag:$0x2], $0x80, v11, vm0, $0xb8;
	[tilespmem:$0x1C100] =	vst v63  }
0x55: {  	v11 =	vld [tilespmem:$0x4010];
	_ =	sdelay $0x4  }
0x56: {  	v57 =	vshrl.u32 v11, $0x3  }
0x57: {  	v12 =	vmul.u32 $0x30, v57  }
0x58: {  	v11 =	vand.u32 $0x7, v11  }
0x59: {  	v11 =	vor.u32 v11, v12  }
0x5a: {  	v12 =	vperm.xlane v11, v8;
	_ =	sdelay $0x1  }
0x5b: {  	v12 =	vadd.s32 v9, v12;
	_ =	sdelay $0x3  }
0x5c: {  	s0 =	rddreg [dreg:$0xb];
	v11 =	vperm.xlane v11, v10  }
0x5d: {  	[hbm4b:s3+s2] =	stream.indirect_vreg.scatter [tilespmem:s0], [sflag:$0x2], $0x80, v12, vm0, $0xb8;
	[tilespmem:$0x1C100] =	vst v63  }
0x5e: {  	s11 =	rddreg [dreg:$0xc];
	v11 =	vadd.s32 v9, v11  }
0x5f: {  	[hbm4b:s4+s2] =	stream.indirect_vreg.scatter [tilespmem:s11], [sflag:$0x2], $0x80, v12, vm0, $0xb8;
	[tilespmem:$0x1C100] =	vst v63  }
0x60: {  	s0 =	rddreg [dreg:$0xd]  }
0x61: {  	[hbm4b:s5+s2] =	stream.indirect_vreg.scatter [tilespmem:s0], [sflag:$0x2], $0x80, v12, vm0, $0xb8;
	[tilespmem:$0x1C100] =	vst v63  }
0x62: {  	s11 =	rddreg [dreg:$0xe]  }
0x63: {  	[hbm4b:s3+s2] =	stream.indirect_vreg.scatter [tilespmem:s11], [sflag:$0x2], $0x80, v11, vm0, $0xb8;
	[tilespmem:$0x1C100] =	vst v63  }
0x64: {  	s0 =	rddreg [dreg:$0xf]  }
0x65: {  	[hbm4b:s4+s2] =	stream.indirect_vreg.scatter [tilespmem:s0], [sflag:$0x2], $0x80, v11, vm0, $0xb8;
	[tilespmem:$0x1C100] =	vst v63  }
0x66: {  	s11 =	rddreg [dreg:$0x10]  }
0x67: {  	[hbm4b:s5+s2] =	stream.indirect_vreg.scatter [tilespmem:s11], [sflag:$0x2], $0x80, v11, vm0, $0xb8;
	[tilespmem:$0x1C100] =	vst v63  }
0x68: {  	v11 =	vld [tilespmem:$0x4020];
	_ =	sdelay $0x4  }
0x69: {  	v58 =	vshrl.u32 v11, $0x3  }
0x6a: {  	v12 =	vmul.u32 $0x30, v58  }
0x6b: {  	v11 =	vand.u32 $0x7, v11  }
0x6c: {  	v11 =	vor.u32 v11, v12  }
0x6d: {  	v12 =	vperm.xlane v11, v8;
	_ =	sdelay $0x1  }
0x6e: {  	v12 =	vadd.s32 v9, v12;
	_ =	sdelay $0x3  }
0x6f: {  	s0 =	rddreg [dreg:$0x11];
	v11 =	vperm.xlane v11, v10  }
0x70: {  	[hbm4b:s3+s2] =	stream.indirect_vreg.scatter [tilespmem:s0], [sflag:$0x2], $0x80, v12, vm0, $0xb8;
	[tilespmem:$0x1C100] =	vst v63  }
0x71: {  	s11 =	rddreg [dreg:$0x12];
	v11 =	vadd.s32 v9, v11  }
0x72: {  	[hbm4b:s4+s2] =	stream.indirect_vreg.scatter [tilespmem:s11], [sflag:$0x2], $0x80, v12, vm0, $0xb8;
	[tilespmem:$0x1C100] =	vst v63  }
0x73: {  	s0 =	rddreg [dreg:$0x13]  }
0x74: {  	[hbm4b:s5+s2] =	stream.indirect_vreg.scatter [tilespmem:s0], [sflag:$0x2], $0x80, v12, vm0, $0xb8;
	[tilespmem:$0x1C100] =	vst v63  }
0x75: {  	s11 =	rddreg [dreg:$0x14]  }
0x76: {  	[hbm4b:s3+s2] =	stream.indirect_vreg.scatter [tilespmem:s11], [sflag:$0x2], $0x80, v11, vm0, $0xb8;
	[tilespmem:$0x1C100] =	vst v63  }
0x77: {  	s0 =	rddreg [dreg:$0x15]  }
0x78: {  	[hbm4b:s4+s2] =	stream.indirect_vreg.scatter [tilespmem:s0], [sflag:$0x2], $0x80, v11, vm0, $0xb8;
	[tilespmem:$0x1C100] =	vst v63  }
0x79: {  	s11 =	rddreg [dreg:$0x16]  }
0x7a: {  	[hbm4b:s5+s2] =	stream.indirect_vreg.scatter [tilespmem:s11], [sflag:$0x2], $0x80, v11, vm0, $0xb8;
	[tilespmem:$0x1C100] =	vst v63  }
0x7b: {  	v11 =	vld [tilespmem:$0x4030];
	_ =	sdelay $0x4  }
0x7c: {  	v59 =	vshrl.u32 v11, $0x3  }
0x7d: {  	v12 =	vmul.u32 $0x30, v59  }
0x7e: {  	v11 =	vand.u32 $0x7, v11  }
0x7f: {  	v11 =	vor.u32 v11, v12  }
0x80: {  	v12 =	vperm.xlane v11, v8;
	_ =	sdelay $0x1  }
0x81: {  	v12 =	vadd.s32 v9, v12;
	_ =	sdelay $0x3  }
0x82: {  	s0 =	rddreg [dreg:$0x17];
	v11 =	vperm.xlane v11, v10  }
0x83: {  	[hbm4b:s3+s2] =	stream.indirect_vreg.scatter [tilespmem:s0], [sflag:$0x2], $0x80, v12, vm0, $0xb8;
	[tilespmem:$0x1C100] =	vst v63  }
0x84: {  	s11 =	rddreg [dreg:$0x18];
	v11 =	vadd.s32 v9, v11  }
0x85: {  	[hbm4b:s4+s2] =	stream.indirect_vreg.scatter [tilespmem:s11], [sflag:$0x2], $0x80, v12, vm0, $0xb8;
	[tilespmem:$0x1C100] =	vst v63  }
0x86: {  	s0 =	rddreg [dreg:$0x19]  }
0x87: {  	[hbm4b:s5+s2] =	stream.indirect_vreg.scatter [tilespmem:s0], [sflag:$0x2], $0x80, v12, vm0, $0xb8;
	[tilespmem:$0x1C100] =	vst v63  }
0x88: {  	s11 =	rddreg [dreg:$0x1a]  }
0x89: {  	[hbm4b:s3+s2] =	stream.indirect_vreg.scatter [tilespmem:s11], [sflag:$0x2], $0x80, v11, vm0, $0xb8;
	[tilespmem:$0x1C100] =	vst v63  }
0x8a: {  	s0 =	rddreg [dreg:$0x1b]  }
0x8b: {  	[hbm4b:s4+s2] =	stream.indirect_vreg.scatter [tilespmem:s0], [sflag:$0x2], $0x80, v11, vm0, $0xb8;
	[tilespmem:$0x1C100] =	vst v63  }
0x8c: {  	s11 =	rddreg [dreg:$0x1c]  }
0x8d: {  	[hbm4b:s5+s2] =	stream.indirect_vreg.scatter [tilespmem:s11], [sflag:$0x2], $0x80, v11, vm0, $0xb8;
	[tilespmem:$0x1C100] =	vst v63  }
0x8e: {  	_ =	swait.ge [sflag:s10], $0xC000  }
0x8f: {  	[sflag:s10] =	ssyncset.done $0x0  }
0x90: {  	[sflag:s10] =	ssyncadd.s32 $0xFFFF4000  }
0x91: {  	v11 =	vld [tilespmem:$0x4080];
	_ =	sdelay $0x4  }
0x92: {  	v60 =	vshrl.u32 v11, $0x3  }
0x93: {  	v12 =	vmul.u32 $0x30, v60  }
0x94: {  	v11 =	vand.u32 $0x7, v11  }
0x95: {  	v11 =	vor.u32 v11, v12  }
0x96: {  	v12 =	vperm.xlane v11, v8;
	_ =	sdelay $0x1  }
0x97: {  	v12 =	vadd.s32 v9, v12;
	_ =	sdelay $0x3  }
0x98: {  	v11 =	vperm.xlane v11, v10  }
0x99: {  	[hbm4b:s3+s2] =	stream.indirect_vreg.scatter [tilespmem:s9], [sflag:$0x2], $0x80, v12, vm0, $0xb8;
	[tilespmem:$0x1C100] =	vst v63  }
0x9a: {  	s0 =	rddreg [dreg:$0x1d];
	v11 =	vadd.s32 v9, v11  }
0x9b: {  	[hbm4b:s4+s2] =	stream.indirect_vreg.scatter [tilespmem:s0], [sflag:$0x2], $0x80, v12, vm0, $0xb8;
	[tilespmem:$0x1C100] =	vst v63  }
0x9c: {  	s11 =	rddreg [dreg:$0x1e]  }
0x9d: {  	[hbm4b:s5+s2] =	stream.indirect_vreg.scatter [tilespmem:s11], [sflag:$0x2], $0x80, v12, vm0, $0xb8;
	[tilespmem:$0x1C100] =	vst v63  }
0x9e: {  	s0 =	rddreg [dreg:$0x1f]  }
0x9f: {  	[hbm4b:s3+s2] =	stream.indirect_vreg.scatter [tilespmem:s0], [sflag:$0x2], $0x80, v11, vm0, $0xb8;
	[tilespmem:$0x1C100] =	vst v63  }
0xa0: {  	s11 =	simm.s32 $0x12100  }
0xa1: {  	[hbm4b:s4+s2] =	stream.indirect_vreg.scatter [tilespmem:s11], [sflag:$0x2], $0x80, v11, vm0, $0xb8;
	[tilespmem:$0x1C100] =	vst v63  }
0xa2: {  	_ = 	snop  }
0xa3: {  	[hbm4b:s5+s2] =	stream.indirect_vreg.scatter [tilespmem:s12], [sflag:$0x2], $0x80, v11, vm0, $0xb8;
	[tilespmem:$0x1C100] =	vst v63  }
0xa4: {  	v11 =	vld [tilespmem:$0x4090];
	_ =	sdelay $0x4  }
0xa5: {  	v61 =	vshrl.u32 v11, $0x3  }
0xa6: {  	v12 =	vmul.u32 $0x30, v61  }
0xa7: {  	v11 =	vand.u32 $0x7, v11  }
0xa8: {  	v11 =	vor.u32 v11, v12  }
0xa9: {  	v12 =	vperm.xlane v11, v8;
	_ =	sdelay $0x1  }
0xaa: {  	v12 =	vadd.s32 v9, v12;
	_ =	sdelay $0x3  }
0xab: {  	v11 =	vperm.xlane v11, v10  }
0xac: {  	[hbm4b:s3+s2] =	stream.indirect_vreg.scatter [tilespmem:s13], [sflag:$0x2], $0x80, v12, vm0, $0xb8;
	[tilespmem:$0x1C100] =	vst v63  }
0xad: {  	v11 =	vadd.s32 v9, v11  }
0xae: {  	[hbm4b:s4+s2] =	stream.indirect_vreg.scatter [tilespmem:s14], [sflag:$0x2], $0x80, v12, vm0, $0xb8;
	[tilespmem:$0x1C100] =	vst v63  }
0xaf: {  	_ = 	snop  }
0xb0: {  	[hbm4b:s5+s2] =	stream.indirect_vreg.scatter [tilespmem:s15], [sflag:$0x2], $0x80, v12, vm0, $0xb8;
	[tilespmem:$0x1C100] =	vst v63  }
0xb1: {  	_ = 	snop  }
0xb2: {  	[hbm4b:s3+s2] =	stream.indirect_vreg.scatter [tilespmem:s16], [sflag:$0x2], $0x80, v11, vm0, $0xb8;
	[tilespmem:$0x1C100] =	vst v63  }
0xb3: {  	_ = 	snop  }
0xb4: {  	[hbm4b:s4+s2] =	stream.indirect_vreg.scatter [tilespmem:s17], [sflag:$0x2], $0x80, v11, vm0, $0xb8;
	[tilespmem:$0x1C100] =	vst v63  }
0xb5: {  	_ = 	snop  }
0xb6: {  	[hbm4b:s5+s2] =	stream.indirect_vreg.scatter [tilespmem:s18], [sflag:$0x2], $0x80, v11, vm0, $0xb8;
	[tilespmem:$0x1C100] =	vst v63  }
0xb7: {  	v11 =	vld [tilespmem:$0x40A0];
	_ =	sdelay $0x4  }
0xb8: {  	v62 =	vshrl.u32 v11, $0x3  }
0xb9: {  	v12 =	vmul.u32 $0x30, v62  }
0xba: {  	v11 =	vand.u32 $0x7, v11  }
0xbb: {  	v11 =	vor.u32 v11, v12  }
0xbc: {  	v12 =	vperm.xlane v11, v8;
	_ =	sdelay $0x1  }
0xbd: {  	v12 =	vadd.s32 v9, v12;
	_ =	sdelay $0x3  }
0xbe: {  	v11 =	vperm.xlane v11, v10  }
0xbf: {  	[hbm4b:s3+s2] =	stream.indirect_vreg.scatter [tilespmem:s19], [sflag:$0x2], $0x80, v12, vm0, $0xb8;
	[tilespmem:$0x1C100] =	vst v63  }
0xc0: {  	v11 =	vadd.s32 v9, v11  }
0xc1: {  	[hbm4b:s4+s2] =	stream.indirect_vreg.scatter [tilespmem:s20], [sflag:$0x2], $0x80, v12, vm0, $0xb8;
	[tilespmem:$0x1C100] =	vst v63  }
0xc2: {  	_ = 	snop  }
0xc3: {  	[hbm4b:s5+s2] =	stream.indirect_vreg.scatter [tilespmem:s21], [sflag:$0x2], $0x80, v12, vm0, $0xb8;
	[tilespmem:$0x1C100] =	vst v63  }
0xc4: {  	_ = 	snop  }
0xc5: {  	[hbm4b:s3+s2] =	stream.indirect_vreg.scatter [tilespmem:s22], [sflag:$0x2], $0x80, v11, vm0, $0xb8;
	[tilespmem:$0x1C100] =	vst v63  }
0xc6: {  	_ = 	snop  }
0xc7: {  	[hbm4b:s4+s2] =	stream.indirect_vreg.scatter [tilespmem:s23], [sflag:$0x2], $0x80, v11, vm0, $0xb8;
	[tilespmem:$0x1C100] =	vst v63  }
0xc8: {  	_ = 	snop  }
0xc9: {  	[hbm4b:s5+s2] =	stream.indirect_vreg.scatter [tilespmem:s24], [sflag:$0x2], $0x80, v11, vm0, $0xb8;
	[tilespmem:$0x1C100] =	vst v63  }
0xca: {  	v11 =	vld [tilespmem:$0x40B0];
	_ =	sdelay $0x4  }
0xcb: {  	v63 =	vshrl.u32 v11, $0x3  }
0xcc: {  	v12 =	vmul.u32 $0x30, v63  }
0xcd: {  	v11 =	vand.u32 $0x7, v11  }
0xce: {  	v11 =	vor.u32 v11, v12  }
0xcf: {  	v12 =	vperm.xlane v11, v8;
	_ =	sdelay $0x1  }
0xd0: {  	v12 =	vadd.s32 v9, v12;
	_ =	sdelay $0x3  }
0xd1: {  	v11 =	vperm.xlane v11, v10  }
0xd2: {  	[hbm4b:s3+s2] =	stream.indirect_vreg.scatter [tilespmem:s25], [sflag:$0x2], $0x80, v12, vm0, $0xb8;
	[tilespmem:$0x1C100] =	vst v63  }
0xd3: {  	v11 =	vadd.s32 v9, v11  }
0xd4: {  	[hbm4b:s4+s2] =	stream.indirect_vreg.scatter [tilespmem:s26], [sflag:$0x2], $0x80, v12, vm0, $0xb8;
	[tilespmem:$0x1C100] =	vst v63  }
0xd5: {  	_ = 	snop  }
0xd6: {  	[hbm4b:s5+s2] =	stream.indirect_vreg.scatter [tilespmem:s28], [sflag:$0x2], $0x80, v12, vm0, $0xb8;
	[tilespmem:$0x1C100] =	vst v63  }
0xd7: {  	_ = 	snop  }
0xd8: {  	[hbm4b:s3+s2] =	stream.indirect_vreg.scatter [tilespmem:s29], [sflag:$0x2], $0x80, v11, vm0, $0xb8;
	[tilespmem:$0x1C100] =	vst v63  }
0xd9: {  	_ = 	snop  }
0xda: {  	[hbm4b:s4+s2] =	stream.indirect_vreg.scatter [tilespmem:s30], [sflag:$0x2], $0x80, v11, vm0, $0xb8;
	[tilespmem:$0x1C100] =	vst v63  }
0xdb: {  	_ = 	snop  }
0xdc: {  	[hbm4b:s5+s2] =	stream.indirect_vreg.scatter [tilespmem:s31], [sflag:$0x2], $0x80, v11, vm0, $0xb8;
	[tilespmem:$0x1C100] =	vst v63  }
0xdd: {  	p0 =	sne.s32 s6, $0x1;
	_ =	swait.ge [sflag:s1], $0xC000  }
.Ltmp0:
0xde: {  	[sflag:s1] =	ssyncset.done $0x0;
	(pc) =	sbr.rel @p0 .LBB2_1-.Ltmp0, $4  }
0xdf: {  	[sflag:s1] =	ssyncadd.s32 $0xFFFF4000  }
0xe0: {  	_ =	swait.ge [sflag:s1], $0xC000  }
0xe1: {  	[sflag:s1] =	ssyncset.done $0x0  }
0xe2: {  	s6 =	sadd.s32 $0xFFFFFFFF, s6;
	[sflag:s1] =	ssyncadd.s32 $0xFFFF4000  }
0xe3: {  	_ =	sfence.sel $0x180000  }
0xe4: {  	[bflag:$0x0] =	sbarrier.arrive $0xFFFF  }
0xe5: {  	_ =	strace $0x90000047  }
0xe6: {  	s0 =	stileid.u32;
	[bflag:$0x2] =	sbarrier.arrive $0xFFFF  }
0xe7: {  	p0 =	sne.s32 s0, $0x0;
	s0 =	rddreg [dreg:$0x2]  }
0xe8: {  	s0 =	sadd.s32 @!p0 $0x100000, s0  }
0xe9: {  	[sflag:s0] =	ssyncadd.tile.s32 @!p0 $0x1;
	_ =	shalt  }
.Lfunc_end2:
_tile_overlayer_lowered:
.L_overlay_start_2:
0xea: {  	(tag) =	ssettag $0x2  }
0xeb: {  	s0 =	rddreg [dreg:$0x0];
	s2 =	stileid.u32  }
0xec: {  	s1 =	rddreg [dreg:$0x1];
	p0 =	sne.s32 s2, $0x0  }
0xed: {  	s3 =	rddreg [dreg:$0x2];
	[bflag:$0x3] =	sbarrier.arrive $0xFFFF;
	s2 =	simm.s32 @!p0 $0x1C03  }
0xee: {  	[timem:s3], [sflag:s2] =	dma.local @!p0 [hbm:s0], s1  }
0xef: {  	s0 =	simm.s32 @!p0 $0x3  }
0xf0: {  	_ =	swait.ge @!p0 [sflag:s0], s1  }
0xf1: {  	s1 =	ssub.s32 @!p0 $0x0, s1;
	[sflag:s0] =	ssyncset.done @!p0 $0x0  }
0xf2: {  	[sflag:s0] =	ssyncadd.s32 @!p0 s1  }
0xf3: {  	[bflag:$0x3] =	sbarrier.arrive $0xFFFF  }
0xf4: {  	_ =	shalt  }

</sc_bundles>
